<compile_context>
chip_gen: v7x
topology: tpu7x:2x2x1
jax: 0.10.2.dev20260603
libtpu: 0.0.44.dev20260713+nightly
codegen_flags: <defaults>
</compile_context>

<pallas_src>
import functools

import jax
import jax.numpy as jnp
from jax import lax
from jax.experimental import pallas as pl
from jax.experimental.pallas import tpu as pltpu
from jax.experimental.pallas import tpu_sc as plsc

EMB_D = 128
_info = plsc.get_sparse_core_info()
_NC, _NS = _info.num_cores, _info.num_subcores
_NW = _NC * _NS

_CHUNK = 400
_SUB = 128


def _make_gather(n_total: int):
    assert n_total % (_NW * _CHUNK) == 0
    bpw = n_total // _NW
    n_chunks = bpw // _CHUNK
    assert n_chunks >= 4 and n_chunks % 2 == 0
    subs = []
    o = 0
    while o < _CHUNK:
        n = min(_SUB, _CHUNK - o)
        subs.append((o, n))
        o += n
    mesh = plsc.VectorSubcoreMesh(core_axis_name="c", subcore_axis_name="s")

    @functools.partial(
        pl.kernel,
        out_type=jax.ShapeDtypeStruct((n_total, EMB_D), jnp.float32),
        mesh=mesh,
        compiler_params=pltpu.CompilerParams(use_tc_tiling_on_sc=True),
        scratch_types=[
            pltpu.VMEM((_CHUNK,), jnp.int32),
            pltpu.VMEM((_CHUNK,), jnp.int32),
            pltpu.VMEM((_CHUNK, EMB_D), jnp.float32),
            pltpu.VMEM((_CHUNK, EMB_D), jnp.float32),
            pltpu.SemaphoreType.DMA,
            pltpu.SemaphoreType.DMA,
            pltpu.SemaphoreType.DMA,
            pltpu.SemaphoreType.DMA,
            pltpu.SemaphoreType.DMA,
            pltpu.SemaphoreType.DMA,
        ],
    )
    def gather_kernel(idx_hbm, table_hbm, out_hbm, idx0, idx1, rows0, rows1,
                      isem0, isem1, gsem0, gsem1, ssem0, ssem1):
        wid = lax.axis_index("s") * _NC + lax.axis_index("c")
        base = wid * bpw
        slots = ((idx0, isem0, rows0, gsem0, ssem0),
                 (idx1, isem1, rows1, gsem1, ssem1))

        def start_idx(g, slot):
            idx_v, isem = slots[slot][0], slots[slot][1]
            pltpu.async_copy(idx_hbm.at[pl.ds(base + g * _CHUNK, _CHUNK)],
                             idx_v, isem)

        def fire_gather(g, slot, wait_store):
            idx_v, isem, rows_v, gsem, ssem = slots[slot]
            off = base + g * _CHUNK
            pltpu.make_async_copy(idx_hbm.at[pl.ds(off, _CHUNK)],
                                  idx_v, isem).wait()
            if wait_store:
                pltpu.make_async_copy(rows_v, out_hbm.at[pl.ds(off, _CHUNK)],
                                      ssem).wait()
            for (o, n) in subs:
                pltpu.async_copy(table_hbm.at[idx_v.at[pl.ds(o, n)]],
                                 rows_v.at[pl.ds(o, n)], gsem)

        def retire(g, slot, prefetch):
            idx_v, isem, rows_v, gsem, ssem = slots[slot]
            off = base + g * _CHUNK
            for (o, n) in subs:
                pltpu.make_async_copy(table_hbm.at[idx_v.at[pl.ds(o, n)]],
                                      rows_v.at[pl.ds(o, n)], gsem).wait()
            if prefetch:
                start_idx(g + 2, slot)
            pltpu.async_copy(rows_v, out_hbm.at[pl.ds(off, _CHUNK)], ssem)

        start_idx(0, 0)
        start_idx(1, 1)
        fire_gather(0, 0, wait_store=False)
        fire_gather(1, 1, wait_store=False)
        retire(0, 0, prefetch=True)

        def pair_body(k, carry):
            g = 2 + 2 * k
            fire_gather(g, 0, wait_store=True)
            retire(g - 1, 1, prefetch=True)
            fire_gather(g + 1, 1, wait_store=True)
            retire(g, 0, prefetch=True)
            return carry

        lax.fori_loop(0, (n_chunks - 4) // 2, pair_body, 0)
        g = n_chunks - 2
        fire_gather(g, 0, wait_store=True)
        retire(g - 1, 1, prefetch=True)
        fire_gather(g + 1, 1, wait_store=True)
        retire(g, 0, prefetch=False)
        retire(n_chunks - 1, 1, prefetch=False)
        pltpu.make_async_copy(rows0, out_hbm.at[pl.ds(base, _CHUNK)],
                              ssem0).wait()
        pltpu.make_async_copy(rows1, out_hbm.at[pl.ds(base, _CHUNK)],
                              ssem1).wait()

    return gather_kernel


def kernel(x, atom_emb):
    b, s = x.shape
    perm_idx = x.T.reshape(-1).astype(jnp.int32)
    out2d = _make_gather(b * s)(perm_idx, atom_emb)
    return out2d.reshape(s, b, EMB_D).transpose(1, 0, 2)

# --- scband reference (transcript-rebuilt; emitter-appended) ---
"""Pipeline reference for scband-atom-embedding-68796786147967 (READ-ONLY COPY).

The authoritative reference and input builder live on the scoring server;
editing this copy changes nothing except your own understanding.
"""

import jax, jax.numpy as jnp
import numpy as np

VOCAB = 100000
EMB_SIZE = 128

def setup_inputs(seed: int = 0) -> dict:
    key = jax.random.key(seed)
    k1, k2 = jax.random.split(key)
    x = jax.random.randint(k1, (16384, 50), 0, VOCAB, dtype=jnp.int64) if jax.config.jax_enable_x64 else jax.random.randint(k1, (16384, 50), 0, VOCAB, dtype=jnp.int32)
    atom_emb = jax.random.normal(k2, (VOCAB, EMB_SIZE), dtype=jnp.float32)
    return {"x": x, "atom_emb": atom_emb}

def reference(x, atom_emb):
    # Faithful to: return self.atom_emb(x)  (nn.Embedding lookup)
    return jnp.take(atom_emb, x, axis=0)

if __name__ == "__main__":
    import jax
    _d = setup_inputs()
    print(jax.jit(kernel)(*tuple(_d.values())))

</pallas_src>

<mosaic_0001>
#map = affine_map<(d0, d1) -> (0)>
#map1 = affine_map<(d0, d1) -> (0, 0)>
module attributes {stable_mosaic.version = 14 : i64} {
  func.func @gather_kernel(%arg0: i32, %arg1: i32, %arg2: memref<819200xi32, #tpu.memory_space<hbm>>, %arg3: memref<100000x128xf32, #tpu.memory_space<hbm>>, %arg4: memref<819200x128xf32, #tpu.memory_space<hbm>>, %arg5: memref<400xi32, #tpu.memory_space<vmem>>, %arg6: memref<400xi32, #tpu.memory_space<vmem>>, %arg7: memref<400x128xf32, #tpu.memory_space<vmem>>, %arg8: memref<400x128xf32, #tpu.memory_space<vmem>>, %arg9: memref<!tpu.dma_semaphore, #tpu.memory_space<semaphore_mem>>, %arg10: memref<!tpu.dma_semaphore, #tpu.memory_space<semaphore_mem>>, %arg11: memref<!tpu.dma_semaphore, #tpu.memory_space<semaphore_mem>>, %arg12: memref<!tpu.dma_semaphore, #tpu.memory_space<semaphore_mem>>, %arg13: memref<!tpu.dma_semaphore, #tpu.memory_space<semaphore_mem>>, %arg14: memref<!tpu.dma_semaphore, #tpu.memory_space<semaphore_mem>>) attributes {dimension_semantics = [#tpu.dimension_semantics<core_parallel>, #tpu.dimension_semantics<subcore_parallel>], iteration_bounds = array<i64: 2, 16>, scalar_prefetch = 0 : i64, scratch_operands = 10 : i64, tpu.core_type = #tpu.core_type<sc_vector_subcore>, window_params = [{transform_indices = #map}, {transform_indices = #map1}, {transform_indices = #map1}]} {
    %mul3A = arith.constant 2 : i32
    %mul3A_0 = arith.muli %arg1, %mul3A : i32
    %add3A = arith.addi %mul3A_0, %arg0 : i32
    %mul3A_1 = arith.constant 25600 : i32
    %mul3A_2 = arith.muli %add3A, %mul3A_1 : i32
    %add3A_3 = arith.constant 0 : i32
    %add3A_4 = arith.addi %mul3A_2, %add3A_3 : i32
    %dma_start3A = tpu.memref_slice %arg2[%add3A_4] : memref<819200xi32, #tpu.memory_space<hbm>> -> memref<400xi32, #tpu.memory_space<hbm>>
    %dma_start3A_5 = tpu.memref_slice %arg2[%add3A_4] : memref<819200xi32, #tpu.memory_space<hbm>> -> memref<400xi32, #tpu.memory_space<hbm>>
    tpu.enqueue_dma source(%dma_start3A_5 : memref<400xi32, #tpu.memory_space<hbm>>) target(%arg5 : memref<400xi32, #tpu.memory_space<vmem>>) target_semaphore(%arg9 : memref<!tpu.dma_semaphore, #tpu.memory_space<semaphore_mem>>)
    %add3A_6 = arith.constant 400 : i32
    %add3A_7 = arith.addi %mul3A_2, %add3A_6 : i32
    %dma_start3A_8 = tpu.memref_slice %arg2[%add3A_7] : memref<819200xi32, #tpu.memory_space<hbm>> -> memref<400xi32, #tpu.memory_space<hbm>>
    %dma_start3A_9 = tpu.memref_slice %arg2[%add3A_7] : memref<819200xi32, #tpu.memory_space<hbm>> -> memref<400xi32, #tpu.memory_space<hbm>>
    tpu.enqueue_dma source(%dma_start3A_9 : memref<400xi32, #tpu.memory_space<hbm>>) target(%arg6 : memref<400xi32, #tpu.memory_space<vmem>>) target_semaphore(%arg10 : memref<!tpu.dma_semaphore, #tpu.memory_space<semaphore_mem>>)
    %add3A_10 = arith.constant 0 : i32
    %add3A_11 = arith.addi %mul3A_2, %add3A_10 : i32
    %dma_wait3A = tpu.memref_slice %arg2[%add3A_11] : memref<819200xi32, #tpu.memory_space<hbm>> -> memref<400xi32, #tpu.memory_space<hbm>>
    %dma_wait3A_12 = tpu.memref_slice %arg2[%add3A_11] : memref<819200xi32, #tpu.memory_space<hbm>> -> memref<400xi32, #tpu.memory_space<hbm>>
    tpu.wait_dma2 semaphore(%arg9 : memref<!tpu.dma_semaphore, #tpu.memory_space<semaphore_mem>>) src(%dma_wait3A_12 : memref<400xi32, #tpu.memory_space<hbm>>) dst(%arg5 : memref<400xi32, #tpu.memory_space<vmem>>)
    %dma_start3A_13 = arith.constant 0 : i32
    %dma_start3A_14 = arith.constant 0 : i32
    %dma_start3A_15 = tpu.memref_slice %arg7[%dma_start3A_13, %dma_start3A_14] : memref<400x128xf32, #tpu.memory_space<vmem>> -> memref<128x128xf32, #tpu.memory_space<vmem>>
    %dma_start3A_16 = arith.constant 0 : i32
    %dma_start3A_17 = tpu.memref_slice %arg5[%dma_start3A_16] : memref<400xi32, #tpu.memory_space<vmem>> -> memref<128xi32, #tpu.memory_space<vmem>>
    %dma_start3A_18 = arith.constant 0 : i32
    %dma_start3A_19 = arith.constant 0 : i32
    %dma_start3A_20 = tpu.memref_slice %arg3[%dma_start3A_18, %dma_start3A_19] : memref<100000x128xf32, #tpu.memory_space<hbm>> -> memref<100000x128xf32, #tpu.memory_space<hbm>>
    tpu.enqueue_indirect_dma source(%dma_start3A_20 : memref<100000x128xf32, #tpu.memory_space<hbm>>) target(%dma_start3A_15 : memref<128x128xf32, #tpu.memory_space<vmem>>) offsets(%dma_start3A_17 : memref<128xi32, #tpu.memory_space<vmem>>) semaphore(%arg11 : memref<!tpu.dma_semaphore, #tpu.memory_space<semaphore_mem>>)
    %dma_start3A_21 = arith.constant 128 : i32
    %dma_start3A_22 = arith.constant 0 : i32
    %dma_start3A_23 = tpu.memref_slice %arg7[%dma_start3A_21, %dma_start3A_22] : memref<400x128xf32, #tpu.memory_space<vmem>> -> memref<128x128xf32, #tpu.memory_space<vmem>>
    %dma_start3A_24 = arith.constant 128 : i32
    %dma_start3A_25 = tpu.memref_slice %arg5[%dma_start3A_24] : memref<400xi32, #tpu.memory_space<vmem>> -> memref<128xi32, #tpu.memory_space<vmem>>
    %dma_start3A_26 = arith.constant 0 : i32
    %dma_start3A_27 = arith.constant 0 : i32
    %dma_start3A_28 = tpu.memref_slice %arg3[%dma_start3A_26, %dma_start3A_27] : memref<100000x128xf32, #tpu.memory_space<hbm>> -> memref<100000x128xf32, #tpu.memory_space<hbm>>
    tpu.enqueue_indirect_dma source(%dma_start3A_28 : memref<100000x128xf32, #tpu.memory_space<hbm>>) target(%dma_start3A_23 : memref<128x128xf32, #tpu.memory_space<vmem>>) offsets(%dma_start3A_25 : memref<128xi32, #tpu.memory_space<vmem>>) semaphore(%arg11 : memref<!tpu.dma_semaphore, #tpu.memory_space<semaphore_mem>>)
    %dma_start3A_29 = arith.constant 256 : i32
    %dma_start3A_30 = arith.constant 0 : i32
    %dma_start3A_31 = tpu.memref_slice %arg7[%dma_start3A_29, %dma_start3A_30] : memref<400x128xf32, #tpu.memory_space<vmem>> -> memref<128x128xf32, #tpu.memory_space<vmem>>
    %dma_start3A_32 = arith.constant 256 : i32
    %dma_start3A_33 = tpu.memref_slice %arg5[%dma_start3A_32] : memref<400xi32, #tpu.memory_space<vmem>> -> memref<128xi32, #tpu.memory_space<vmem>>
    %dma_start3A_34 = arith.constant 0 : i32
    %dma_start3A_35 = arith.constant 0 : i32
    %dma_start3A_36 = tpu.memref_slice %arg3[%dma_start3A_34, %dma_start3A_35] : memref<100000x128xf32, #tpu.memory_space<hbm>> -> memref<100000x128xf32, #tpu.memory_space<hbm>>
    tpu.enqueue_indirect_dma source(%dma_start3A_36 : memref<100000x128xf32, #tpu.memory_space<hbm>>) target(%dma_start3A_31 : memref<128x128xf32, #tpu.memory_space<vmem>>) offsets(%dma_start3A_33 : memref<128xi32, #tpu.memory_space<vmem>>) semaphore(%arg11 : memref<!tpu.dma_semaphore, #tpu.memory_space<semaphore_mem>>)
    %dma_start3A_37 = arith.constant 384 : i32
    %dma_start3A_38 = arith.constant 0 : i32
    %dma_start3A_39 = tpu.memref_slice %arg7[%dma_start3A_37, %dma_start3A_38] : memref<400x128xf32, #tpu.memory_space<vmem>> -> memref<16x128xf32, #tpu.memory_space<vmem>>
    %dma_start3A_40 = arith.constant 384 : i32
    %dma_start3A_41 = tpu.memref_slice %arg5[%dma_start3A_40] : memref<400xi32, #tpu.memory_space<vmem>> -> memref<16xi32, #tpu.memory_space<vmem>>
    %dma_start3A_42 = arith.constant 0 : i32
    %dma_start3A_43 = arith.constant 0 : i32
    %dma_start3A_44 = tpu.memref_slice %arg3[%dma_start3A_42, %dma_start3A_43] : memref<100000x128xf32, #tpu.memory_space<hbm>> -> memref<100000x128xf32, #tpu.memory_space<hbm>>
    tpu.enqueue_indirect_dma source(%dma_start3A_44 : memref<100000x128xf32, #tpu.memory_space<hbm>>) target(%dma_start3A_39 : memref<16x128xf32, #tpu.memory_space<vmem>>) offsets(%dma_start3A_41 : memref<16xi32, #tpu.memory_space<vmem>>) semaphore(%arg11 : memref<!tpu.dma_semaphore, #tpu.memory_space<semaphore_mem>>)
    %add3A_45 = arith.constant 400 : i32
    %add3A_46 = arith.addi %mul3A_2, %add3A_45 : i32
    %dma_wait3A_47 = tpu.memref_slice %arg2[%add3A_46] : memref<819200xi32, #tpu.memory_space<hbm>> -> memref<400xi32, #tpu.memory_space<hbm>>
    %dma_wait3A_48 = tpu.memref_slice %arg2[%add3A_46] : memref<819200xi32, #tpu.memory_space<hbm>> -> memref<400xi32, #tpu.memory_space<hbm>>
    tpu.wait_dma2 semaphore(%arg10 : memref<!tpu.dma_semaphore, #tpu.memory_space<semaphore_mem>>) src(%dma_wait3A_48 : memref<400xi32, #tpu.memory_space<hbm>>) dst(%arg6 : memref<400xi32, #tpu.memory_space<vmem>>)
    %dma_start3A_49 = arith.constant 0 : i32
    %dma_start3A_50 = arith.constant 0 : i32
    %dma_start3A_51 = tpu.memref_slice %arg8[%dma_start3A_49, %dma_start3A_50] : memref<400x128xf32, #tpu.memory_space<vmem>> -> memref<128x128xf32, #tpu.memory_space<vmem>>
    %dma_start3A_52 = arith.constant 0 : i32
    %dma_start3A_53 = tpu.memref_slice %arg6[%dma_start3A_52] : memref<400xi32, #tpu.memory_space<vmem>> -> memref<128xi32, #tpu.memory_space<vmem>>
    %dma_start3A_54 = arith.constant 0 : i32
    %dma_start3A_55 = arith.constant 0 : i32
    %dma_start3A_56 = tpu.memref_slice %arg3[%dma_start3A_54, %dma_start3A_55] : memref<100000x128xf32, #tpu.memory_space<hbm>> -> memref<100000x128xf32, #tpu.memory_space<hbm>>
    tpu.enqueue_indirect_dma source(%dma_start3A_56 : memref<100000x128xf32, #tpu.memory_space<hbm>>) target(%dma_start3A_51 : memref<128x128xf32, #tpu.memory_space<vmem>>) offsets(%dma_start3A_53 : memref<128xi32, #tpu.memory_space<vmem>>) semaphore(%arg12 : memref<!tpu.dma_semaphore, #tpu.memory_space<semaphore_mem>>)
    %dma_start3A_57 = arith.constant 128 : i32
    %dma_start3A_58 = arith.constant 0 : i32
    %dma_start3A_59 = tpu.memref_slice %arg8[%dma_start3A_57, %dma_start3A_58] : memref<400x128xf32, #tpu.memory_space<vmem>> -> memref<128x128xf32, #tpu.memory_space<vmem>>
    %dma_start3A_60 = arith.constant 128 : i32
    %dma_start3A_61 = tpu.memref_slice %arg6[%dma_start3A_60] : memref<400xi32, #tpu.memory_space<vmem>> -> memref<128xi32, #tpu.memory_space<vmem>>
    %dma_start3A_62 = arith.constant 0 : i32
    %dma_start3A_63 = arith.constant 0 : i32
    %dma_start3A_64 = tpu.memref_slice %arg3[%dma_start3A_62, %dma_start3A_63] : memref<100000x128xf32, #tpu.memory_space<hbm>> -> memref<100000x128xf32, #tpu.memory_space<hbm>>
    tpu.enqueue_indirect_dma source(%dma_start3A_64 : memref<100000x128xf32, #tpu.memory_space<hbm>>) target(%dma_start3A_59 : memref<128x128xf32, #tpu.memory_space<vmem>>) offsets(%dma_start3A_61 : memref<128xi32, #tpu.memory_space<vmem>>) semaphore(%arg12 : memref<!tpu.dma_semaphore, #tpu.memory_space<semaphore_mem>>)
    %dma_start3A_65 = arith.constant 256 : i32
    %dma_start3A_66 = arith.constant 0 : i32
    %dma_start3A_67 = tpu.memref_slice %arg8[%dma_start3A_65, %dma_start3A_66] : memref<400x128xf32, #tpu.memory_space<vmem>> -> memref<128x128xf32, #tpu.memory_space<vmem>>
    %dma_start3A_68 = arith.constant 256 : i32
    %dma_start3A_69 = tpu.memref_slice %arg6[%dma_start3A_68] : memref<400xi32, #tpu.memory_space<vmem>> -> memref<128xi32, #tpu.memory_space<vmem>>
    %dma_start3A_70 = arith.constant 0 : i32
    %dma_start3A_71 = arith.constant 0 : i32
    %dma_start3A_72 = tpu.memref_slice %arg3[%dma_start3A_70, %dma_start3A_71] : memref<100000x128xf32, #tpu.memory_space<hbm>> -> memref<100000x128xf32, #tpu.memory_space<hbm>>
    tpu.enqueue_indirect_dma source(%dma_start3A_72 : memref<100000x128xf32, #tpu.memory_space<hbm>>) target(%dma_start3A_67 : memref<128x128xf32, #tpu.memory_space<vmem>>) offsets(%dma_start3A_69 : memref<128xi32, #tpu.memory_space<vmem>>) semaphore(%arg12 : memref<!tpu.dma_semaphore, #tpu.memory_space<semaphore_mem>>)
    %dma_start3A_73 = arith.constant 384 : i32
    %dma_start3A_74 = arith.constant 0 : i32
    %dma_start3A_75 = tpu.memref_slice %arg8[%dma_start3A_73, %dma_start3A_74] : memref<400x128xf32, #tpu.memory_space<vmem>> -> memref<16x128xf32, #tpu.memory_space<vmem>>
    %dma_start3A_76 = arith.constant 384 : i32
    %dma_start3A_77 = tpu.memref_slice %arg6[%dma_start3A_76] : memref<400xi32, #tpu.memory_space<vmem>> -> memref<16xi32, #tpu.memory_space<vmem>>
    %dma_start3A_78 = arith.constant 0 : i32
    %dma_start3A_79 = arith.constant 0 : i32
    %dma_start3A_80 = tpu.memref_slice %arg3[%dma_start3A_78, %dma_start3A_79] : memref<100000x128xf32, #tpu.memory_space<hbm>> -> memref<100000x128xf32, #tpu.memory_space<hbm>>
    tpu.enqueue_indirect_dma source(%dma_start3A_80 : memref<100000x128xf32, #tpu.memory_space<hbm>>) target(%dma_start3A_75 : memref<16x128xf32, #tpu.memory_space<vmem>>) offsets(%dma_start3A_77 : memref<16xi32, #tpu.memory_space<vmem>>) semaphore(%arg12 : memref<!tpu.dma_semaphore, #tpu.memory_space<semaphore_mem>>)
    %add3A_81 = arith.constant 0 : i32
    %add3A_82 = arith.addi %mul3A_2, %add3A_81 : i32
    %dma_wait3A_83 = arith.constant 0 : i32
    %dma_wait3A_84 = arith.constant 0 : i32
    %dma_wait3A_85 = tpu.memref_slice %arg7[%dma_wait3A_83, %dma_wait3A_84] : memref<400x128xf32, #tpu.memory_space<vmem>> -> memref<128x128xf32, #tpu.memory_space<vmem>>
    %dma_wait3A_86 = arith.constant 0 : i32
    %dma_wait3A_87 = tpu.memref_slice %arg5[%dma_wait3A_86] : memref<400xi32, #tpu.memory_space<vmem>> -> memref<128xi32, #tpu.memory_space<vmem>>
    %dma_wait3A_88 = arith.constant 0 : i32
    %dma_wait3A_89 = arith.constant 0 : i32
    %dma_wait3A_90 = tpu.memref_slice %arg3[%dma_wait3A_88, %dma_wait3A_89] : memref<100000x128xf32, #tpu.memory_space<hbm>> -> memref<100000x128xf32, #tpu.memory_space<hbm>>
    tpu.wait_indirect_dma semaphore(%arg11 : memref<!tpu.dma_semaphore, #tpu.memory_space<semaphore_mem>>) src(%dma_wait3A_90 : memref<100000x128xf32, #tpu.memory_space<hbm>>) dst(%dma_wait3A_85 : memref<128x128xf32, #tpu.memory_space<vmem>>)
    %dma_wait3A_91 = arith.constant 128 : i32
    %dma_wait3A_92 = arith.constant 0 : i32
    %dma_wait3A_93 = tpu.memref_slice %arg7[%dma_wait3A_91, %dma_wait3A_92] : memref<400x128xf32, #tpu.memory_space<vmem>> -> memref<128x128xf32, #tpu.memory_space<vmem>>
    %dma_wait3A_94 = arith.constant 128 : i32
    %dma_wait3A_95 = tpu.memref_slice %arg5[%dma_wait3A_94] : memref<400xi32, #tpu.memory_space<vmem>> -> memref<128xi32, #tpu.memory_space<vmem>>
    %dma_wait3A_96 = arith.constant 0 : i32
    %dma_wait3A_97 = arith.constant 0 : i32
    %dma_wait3A_98 = tpu.memref_slice %arg3[%dma_wait3A_96, %dma_wait3A_97] : memref<100000x128xf32, #tpu.memory_space<hbm>> -> memref<100000x128xf32, #tpu.memory_space<hbm>>
    tpu.wait_indirect_dma semaphore(%arg11 : memref<!tpu.dma_semaphore, #tpu.memory_space<semaphore_mem>>) src(%dma_wait3A_98 : memref<100000x128xf32, #tpu.memory_space<hbm>>) dst(%dma_wait3A_93 : memref<128x128xf32, #tpu.memory_space<vmem>>)
    %dma_wait3A_99 = arith.constant 256 : i32
    %dma_wait3A_100 = arith.constant 0 : i32
    %dma_wait3A_101 = tpu.memref_slice %arg7[%dma_wait3A_99, %dma_wait3A_100] : memref<400x128xf32, #tpu.memory_space<vmem>> -> memref<128x128xf32, #tpu.memory_space<vmem>>
    %dma_wait3A_102 = arith.constant 256 : i32
    %dma_wait3A_103 = tpu.memref_slice %arg5[%dma_wait3A_102] : memref<400xi32, #tpu.memory_space<vmem>> -> memref<128xi32, #tpu.memory_space<vmem>>
    %dma_wait3A_104 = arith.constant 0 : i32
    %dma_wait3A_105 = arith.constant 0 : i32
    %dma_wait3A_106 = tpu.memref_slice %arg3[%dma_wait3A_104, %dma_wait3A_105] : memref<100000x128xf32, #tpu.memory_space<hbm>> -> memref<100000x128xf32, #tpu.memory_space<hbm>>
    tpu.wait_indirect_dma semaphore(%arg11 : memref<!tpu.dma_semaphore, #tpu.memory_space<semaphore_mem>>) src(%dma_wait3A_106 : memref<100000x128xf32, #tpu.memory_space<hbm>>) dst(%dma_wait3A_101 : memref<128x128xf32, #tpu.memory_space<vmem>>)
    %dma_wait3A_107 = arith.constant 384 : i32
    %dma_wait3A_108 = arith.constant 0 : i32
    %dma_wait3A_109 = tpu.memref_slice %arg7[%dma_wait3A_107, %dma_wait3A_108] : memref<400x128xf32, #tpu.memory_space<vmem>> -> memref<16x128xf32, #tpu.memory_space<vmem>>
    %dma_wait3A_110 = arith.constant 384 : i32
    %dma_wait3A_111 = tpu.memref_slice %arg5[%dma_wait3A_110] : memref<400xi32, #tpu.memory_space<vmem>> -> memref<16xi32, #tpu.memory_space<vmem>>
    %dma_wait3A_112 = arith.constant 0 : i32
    %dma_wait3A_113 = arith.constant 0 : i32
    %dma_wait3A_114 = tpu.memref_slice %arg3[%dma_wait3A_112, %dma_wait3A_113] : memref<100000x128xf32, #tpu.memory_space<hbm>> -> memref<100000x128xf32, #tpu.memory_space<hbm>>
    tpu.wait_indirect_dma semaphore(%arg11 : memref<!tpu.dma_semaphore, #tpu.memory_space<semaphore_mem>>) src(%dma_wait3A_114 : memref<100000x128xf32, #tpu.memory_space<hbm>>) dst(%dma_wait3A_109 : memref<16x128xf32, #tpu.memory_space<vmem>>)
    %add3A_115 = arith.constant 800 : i32
    %add3A_116 = arith.addi %mul3A_2, %add3A_115 : i32
    %dma_start3A_117 = tpu.memref_slice %arg2[%add3A_116] : memref<819200xi32, #tpu.memory_space<hbm>> -> memref<400xi32, #tpu.memory_space<hbm>>
    %dma_start3A_118 = tpu.memref_slice %arg2[%add3A_116] : memref<819200xi32, #tpu.memory_space<hbm>> -> memref<400xi32, #tpu.memory_space<hbm>>
    tpu.enqueue_dma source(%dma_start3A_118 : memref<400xi32, #tpu.memory_space<hbm>>) target(%arg5 : memref<400xi32, #tpu.memory_space<vmem>>) target_semaphore(%arg9 : memref<!tpu.dma_semaphore, #tpu.memory_space<semaphore_mem>>)
    %dma_start3A_119 = arith.constant 0 : i32
    %dma_start3A_120 = tpu.memref_slice %arg4[%add3A_82, %dma_start3A_119] : memref<819200x128xf32, #tpu.memory_space<hbm>> -> memref<400x128xf32, #tpu.memory_space<hbm>>
    %dma_start3A_121 = arith.constant 0 : i32
    %dma_start3A_122 = tpu.memref_slice %arg4[%add3A_82, %dma_start3A_121] : memref<819200x128xf32, #tpu.memory_space<hbm>> -> memref<400x128xf32, #tpu.memory_space<hbm>>
    tpu.enqueue_dma source(%arg7 : memref<400x128xf32, #tpu.memory_space<vmem>>) target(%dma_start3A_122 : memref<400x128xf32, #tpu.memory_space<hbm>>) target_semaphore(%arg13 : memref<!tpu.dma_semaphore, #tpu.memory_space<semaphore_mem>>)
    %scan3A = arith.constant 0 : i32
    %scan3A_123 = arith.constant 0 : i32
    %scan3A_124 = arith.constant 30 : i32
    %scan3A_125 = arith.addi %scan3A_123, %scan3A_124 : i32
    %scan3A_126 = arith.constant 1 : i32
    scf.for %scan3A_334 = %scan3A_123 to %scan3A_125 step %scan3A_126  : i32 {
      %mul3A_335 = arith.constant 2 : i32
      %mul3A_336 = arith.muli %mul3A_335, %scan3A_334 : i32
      %add3A_337 = arith.constant 2 : i32
      %add3A_338 = arith.addi %add3A_337, %mul3A_336 : i32
      %mul3A_339 = arith.constant 400 : i32
      %mul3A_340 = arith.muli %add3A_338, %mul3A_339 : i32
      %add3A_341 = arith.addi %mul3A_2, %mul3A_340 : i32
      %dma_wait3A_342 = tpu.memref_slice %arg2[%add3A_341] : memref<819200xi32, #tpu.memory_space<hbm>> -> memref<400xi32, #tpu.memory_space<hbm>>
      %dma_wait3A_343 = tpu.memref_slice %arg2[%add3A_341] : memref<819200xi32, #tpu.memory_space<hbm>> -> memref<400xi32, #tpu.memory_space<hbm>>
      tpu.wait_dma2 semaphore(%arg9 : memref<!tpu.dma_semaphore, #tpu.memory_space<semaphore_mem>>) src(%dma_wait3A_343 : memref<400xi32, #tpu.memory_space<hbm>>) dst(%arg5 : memref<400xi32, #tpu.memory_space<vmem>>)
      %dma_wait3A_344 = arith.constant 0 : i32
      %dma_wait3A_345 = tpu.memref_slice %arg4[%add3A_341, %dma_wait3A_344] : memref<819200x128xf32, #tpu.memory_space<hbm>> -> memref<400x128xf32, #tpu.memory_space<hbm>>
      %dma_wait3A_346 = arith.constant 0 : i32
      %dma_wait3A_347 = tpu.memref_slice %arg4[%add3A_341, %dma_wait3A_346] : memref<819200x128xf32, #tpu.memory_space<hbm>> -> memref<400x128xf32, #tpu.memory_space<hbm>>
      tpu.wait_dma2 semaphore(%arg13 : memref<!tpu.dma_semaphore, #tpu.memory_space<semaphore_mem>>) src(%arg7 : memref<400x128xf32, #tpu.memory_space<vmem>>) dst(%dma_wait3A_347 : memref<400x128xf32, #tpu.memory_space<hbm>>)
      %dma_start3A_348 = arith.constant 0 : i32
      %dma_start3A_349 = arith.constant 0 : i32
      %dma_start3A_350 = tpu.memref_slice %arg7[%dma_start3A_348, %dma_start3A_349] : memref<400x128xf32, #tpu.memory_space<vmem>> -> memref<128x128xf32, #tpu.memory_space<vmem>>
      %dma_start3A_351 = arith.constant 0 : i32
      %dma_start3A_352 = tpu.memref_slice %arg5[%dma_start3A_351] : memref<400xi32, #tpu.memory_space<vmem>> -> memref<128xi32, #tpu.memory_space<vmem>>
      %dma_start3A_353 = arith.constant 0 : i32
      %dma_start3A_354 = arith.constant 0 : i32
      %dma_start3A_355 = tpu.memref_slice %arg3[%dma_start3A_353, %dma_start3A_354] : memref<100000x128xf32, #tpu.memory_space<hbm>> -> memref<100000x128xf32, #tpu.memory_space<hbm>>
      tpu.enqueue_indirect_dma source(%dma_start3A_355 : memref<100000x128xf32, #tpu.memory_space<hbm>>) target(%dma_start3A_350 : memref<128x128xf32, #tpu.memory_space<vmem>>) offsets(%dma_start3A_352 : memref<128xi32, #tpu.memory_space<vmem>>) semaphore(%arg11 : memref<!tpu.dma_semaphore, #tpu.memory_space<semaphore_mem>>)
      %dma_start3A_356 = arith.constant 128 : i32
      %dma_start3A_357 = arith.constant 0 : i32
      %dma_start3A_358 = tpu.memref_slice %arg7[%dma_start3A_356, %dma_start3A_357] : memref<400x128xf32, #tpu.memory_space<vmem>> -> memref<128x128xf32, #tpu.memory_space<vmem>>
      %dma_start3A_359 = arith.constant 128 : i32
      %dma_start3A_360 = tpu.memref_slice %arg5[%dma_start3A_359] : memref<400xi32, #tpu.memory_space<vmem>> -> memref<128xi32, #tpu.memory_space<vmem>>
      %dma_start3A_361 = arith.constant 0 : i32
      %dma_start3A_362 = arith.constant 0 : i32
      %dma_start3A_363 = tpu.memref_slice %arg3[%dma_start3A_361, %dma_start3A_362] : memref<100000x128xf32, #tpu.memory_space<hbm>> -> memref<100000x128xf32, #tpu.memory_space<hbm>>
      tpu.enqueue_indirect_dma source(%dma_start3A_363 : memref<100000x128xf32, #tpu.memory_space<hbm>>) target(%dma_start3A_358 : memref<128x128xf32, #tpu.memory_space<vmem>>) offsets(%dma_start3A_360 : memref<128xi32, #tpu.memory_space<vmem>>) semaphore(%arg11 : memref<!tpu.dma_semaphore, #tpu.memory_space<semaphore_mem>>)
      %dma_start3A_364 = arith.constant 256 : i32
      %dma_start3A_365 = arith.constant 0 : i32
      %dma_start3A_366 = tpu.memref_slice %arg7[%dma_start3A_364, %dma_start3A_365] : memref<400x128xf32, #tpu.memory_space<vmem>> -> memref<128x128xf32, #tpu.memory_space<vmem>>
      %dma_start3A_367 = arith.constant 256 : i32
      %dma_start3A_368 = tpu.memref_slice %arg5[%dma_start3A_367] : memref<400xi32, #tpu.memory_space<vmem>> -> memref<128xi32, #tpu.memory_space<vmem>>
      %dma_start3A_369 = arith.constant 0 : i32
      %dma_start3A_370 = arith.constant 0 : i32
      %dma_start3A_371 = tpu.memref_slice %arg3[%dma_start3A_369, %dma_start3A_370] : memref<100000x128xf32, #tpu.memory_space<hbm>> -> memref<100000x128xf32, #tpu.memory_space<hbm>>
      tpu.enqueue_indirect_dma source(%dma_start3A_371 : memref<100000x128xf32, #tpu.memory_space<hbm>>) target(%dma_start3A_366 : memref<128x128xf32, #tpu.memory_space<vmem>>) offsets(%dma_start3A_368 : memref<128xi32, #tpu.memory_space<vmem>>) semaphore(%arg11 : memref<!tpu.dma_semaphore, #tpu.memory_space<semaphore_mem>>)
      %dma_start3A_372 = arith.constant 384 : i32
      %dma_start3A_373 = arith.constant 0 : i32
      %dma_start3A_374 = tpu.memref_slice %arg7[%dma_start3A_372, %dma_start3A_373] : memref<400x128xf32, #tpu.memory_space<vmem>> -> memref<16x128xf32, #tpu.memory_space<vmem>>
      %dma_start3A_375 = arith.constant 384 : i32
      %dma_start3A_376 = tpu.memref_slice %arg5[%dma_start3A_375] : memref<400xi32, #tpu.memory_space<vmem>> -> memref<16xi32, #tpu.memory_space<vmem>>
      %dma_start3A_377 = arith.constant 0 : i32
      %dma_start3A_378 = arith.constant 0 : i32
      %dma_start3A_379 = tpu.memref_slice %arg3[%dma_start3A_377, %dma_start3A_378] : memref<100000x128xf32, #tpu.memory_space<hbm>> -> memref<100000x128xf32, #tpu.memory_space<hbm>>
      tpu.enqueue_indirect_dma source(%dma_start3A_379 : memref<100000x128xf32, #tpu.memory_space<hbm>>) target(%dma_start3A_374 : memref<16x128xf32, #tpu.memory_space<vmem>>) offsets(%dma_start3A_376 : memref<16xi32, #tpu.memory_space<vmem>>) semaphore(%arg11 : memref<!tpu.dma_semaphore, #tpu.memory_space<semaphore_mem>>)
      %sub3A = arith.constant 1 : i32
      %sub3A_380 = arith.subi %add3A_338, %sub3A : i32
      %mul3A_381 = arith.constant 400 : i32
      %mul3A_382 = arith.muli %sub3A_380, %mul3A_381 : i32
      %add3A_383 = arith.addi %mul3A_2, %mul3A_382 : i32
      %dma_wait3A_384 = arith.constant 0 : i32
      %dma_wait3A_385 = arith.constant 0 : i32
      %dma_wait3A_386 = tpu.memref_slice %arg8[%dma_wait3A_384, %dma_wait3A_385] : memref<400x128xf32, #tpu.memory_space<vmem>> -> memref<128x128xf32, #tpu.memory_space<vmem>>
      %dma_wait3A_387 = arith.constant 0 : i32
      %dma_wait3A_388 = tpu.memref_slice %arg6[%dma_wait3A_387] : memref<400xi32, #tpu.memory_space<vmem>> -> memref<128xi32, #tpu.memory_space<vmem>>
      %dma_wait3A_389 = arith.constant 0 : i32
      %dma_wait3A_390 = arith.constant 0 : i32
      %dma_wait3A_391 = tpu.memref_slice %arg3[%dma_wait3A_389, %dma_wait3A_390] : memref<100000x128xf32, #tpu.memory_space<hbm>> -> memref<100000x128xf32, #tpu.memory_space<hbm>>
      tpu.wait_indirect_dma semaphore(%arg12 : memref<!tpu.dma_semaphore, #tpu.memory_space<semaphore_mem>>) src(%dma_wait3A_391 : memref<100000x128xf32, #tpu.memory_space<hbm>>) dst(%dma_wait3A_386 : memref<128x128xf32, #tpu.memory_space<vmem>>)
      %dma_wait3A_392 = arith.constant 128 : i32
      %dma_wait3A_393 = arith.constant 0 : i32
      %dma_wait3A_394 = tpu.memref_slice %arg8[%dma_wait3A_392, %dma_wait3A_393] : memref<400x128xf32, #tpu.memory_space<vmem>> -> memref<128x128xf32, #tpu.memory_space<vmem>>
      %dma_wait3A_395 = arith.constant 128 : i32
      %dma_wait3A_396 = tpu.memref_slice %arg6[%dma_wait3A_395] : memref<400xi32, #tpu.memory_space<vmem>> -> memref<128xi32, #tpu.memory_space<vmem>>
      %dma_wait3A_397 = arith.constant 0 : i32
      %dma_wait3A_398 = arith.constant 0 : i32
      %dma_wait3A_399 = tpu.memref_slice %arg3[%dma_wait3A_397, %dma_wait3A_398] : memref<100000x128xf32, #tpu.memory_space<hbm>> -> memref<100000x128xf32, #tpu.memory_space<hbm>>
      tpu.wait_indirect_dma semaphore(%arg12 : memref<!tpu.dma_semaphore, #tpu.memory_space<semaphore_mem>>) src(%dma_wait3A_399 : memref<100000x128xf32, #tpu.memory_space<hbm>>) dst(%dma_wait3A_394 : memref<128x128xf32, #tpu.memory_space<vmem>>)
      %dma_wait3A_400 = arith.constant 256 : i32
      %dma_wait3A_401 = arith.constant 0 : i32
      %dma_wait3A_402 = tpu.memref_slice %arg8[%dma_wait3A_400, %dma_wait3A_401] : memref<400x128xf32, #tpu.memory_space<vmem>> -> memref<128x128xf32, #tpu.memory_space<vmem>>
      %dma_wait3A_403 = arith.constant 256 : i32
      %dma_wait3A_404 = tpu.memref_slice %arg6[%dma_wait3A_403] : memref<400xi32, #tpu.memory_space<vmem>> -> memref<128xi32, #tpu.memory_space<vmem>>
      %dma_wait3A_405 = arith.constant 0 : i32
      %dma_wait3A_406 = arith.constant 0 : i32
      %dma_wait3A_407 = tpu.memref_slice %arg3[%dma_wait3A_405, %dma_wait3A_406] : memref<100000x128xf32, #tpu.memory_space<hbm>> -> memref<100000x128xf32, #tpu.memory_space<hbm>>
      tpu.wait_indirect_dma semaphore(%arg12 : memref<!tpu.dma_semaphore, #tpu.memory_space<semaphore_mem>>) src(%dma_wait3A_407 : memref<100000x128xf32, #tpu.memory_space<hbm>>) dst(%dma_wait3A_402 : memref<128x128xf32, #tpu.memory_space<vmem>>)
      %dma_wait3A_408 = arith.constant 384 : i32
      %dma_wait3A_409 = arith.constant 0 : i32
      %dma_wait3A_410 = tpu.memref_slice %arg8[%dma_wait3A_408, %dma_wait3A_409] : memref<400x128xf32, #tpu.memory_space<vmem>> -> memref<16x128xf32, #tpu.memory_space<vmem>>
      %dma_wait3A_411 = arith.constant 384 : i32
      %dma_wait3A_412 = tpu.memref_slice %arg6[%dma_wait3A_411] : memref<400xi32, #tpu.memory_space<vmem>> -> memref<16xi32, #tpu.memory_space<vmem>>
      %dma_wait3A_413 = arith.constant 0 : i32
      %dma_wait3A_414 = arith.constant 0 : i32
      %dma_wait3A_415 = tpu.memref_slice %arg3[%dma_wait3A_413, %dma_wait3A_414] : memref<100000x128xf32, #tpu.memory_space<hbm>> -> memref<100000x128xf32, #tpu.memory_space<hbm>>
      tpu.wait_indirect_dma semaphore(%arg12 : memref<!tpu.dma_semaphore, #tpu.memory_space<semaphore_mem>>) src(%dma_wait3A_415 : memref<100000x128xf32, #tpu.memory_space<hbm>>) dst(%dma_wait3A_410 : memref<16x128xf32, #tpu.memory_space<vmem>>)
      %add3A_416 = arith.constant 2 : i32
      %add3A_417 = arith.addi %sub3A_380, %add3A_416 : i32
      %mul3A_418 = arith.constant 400 : i32
      %mul3A_419 = arith.muli %add3A_417, %mul3A_418 : i32
      %add3A_420 = arith.addi %mul3A_2, %mul3A_419 : i32
      %dma_start3A_421 = tpu.memref_slice %arg2[%add3A_420] : memref<819200xi32, #tpu.memory_space<hbm>> -> memref<400xi32, #tpu.memory_space<hbm>>
      %dma_start3A_422 = tpu.memref_slice %arg2[%add3A_420] : memref<819200xi32, #tpu.memory_space<hbm>> -> memref<400xi32, #tpu.memory_space<hbm>>
      tpu.enqueue_dma source(%dma_start3A_422 : memref<400xi32, #tpu.memory_space<hbm>>) target(%arg6 : memref<400xi32, #tpu.memory_space<vmem>>) target_semaphore(%arg10 : memref<!tpu.dma_semaphore, #tpu.memory_space<semaphore_mem>>)
      %dma_start3A_423 = arith.constant 0 : i32
      %dma_start3A_424 = tpu.memref_slice %arg4[%add3A_383, %dma_start3A_423] : memref<819200x128xf32, #tpu.memory_space<hbm>> -> memref<400x128xf32, #tpu.memory_space<hbm>>
      %dma_start3A_425 = arith.constant 0 : i32
      %dma_start3A_426 = tpu.memref_slice %arg4[%add3A_383, %dma_start3A_425] : memref<819200x128xf32, #tpu.memory_space<hbm>> -> memref<400x128xf32, #tpu.memory_space<hbm>>
      tpu.enqueue_dma source(%arg8 : memref<400x128xf32, #tpu.memory_space<vmem>>) target(%dma_start3A_426 : memref<400x128xf32, #tpu.memory_space<hbm>>) target_semaphore(%arg14 : memref<!tpu.dma_semaphore, #tpu.memory_space<semaphore_mem>>)
      %add3A_427 = arith.constant 1 : i32
      %add3A_428 = arith.addi %add3A_338, %add3A_427 : i32
      %mul3A_429 = arith.constant 400 : i32
      %mul3A_430 = arith.muli %add3A_428, %mul3A_429 : i32
      %add3A_431 = arith.addi %mul3A_2, %mul3A_430 : i32
      %dma_wait3A_432 = tpu.memref_slice %arg2[%add3A_431] : memref<819200xi32, #tpu.memory_space<hbm>> -> memref<400xi32, #tpu.memory_space<hbm>>
      %dma_wait3A_433 = tpu.memref_slice %arg2[%add3A_431] : memref<819200xi32, #tpu.memory_space<hbm>> -> memref<400xi32, #tpu.memory_space<hbm>>
      tpu.wait_dma2 semaphore(%arg10 : memref<!tpu.dma_semaphore, #tpu.memory_space<semaphore_mem>>) src(%dma_wait3A_433 : memref<400xi32, #tpu.memory_space<hbm>>) dst(%arg6 : memref<400xi32, #tpu.memory_space<vmem>>)
      %dma_wait3A_434 = arith.constant 0 : i32
      %dma_wait3A_435 = tpu.memref_slice %arg4[%add3A_431, %dma_wait3A_434] : memref<819200x128xf32, #tpu.memory_space<hbm>> -> memref<400x128xf32, #tpu.memory_space<hbm>>
      %dma_wait3A_436 = arith.constant 0 : i32
      %dma_wait3A_437 = tpu.memref_slice %arg4[%add3A_431, %dma_wait3A_436] : memref<819200x128xf32, #tpu.memory_space<hbm>> -> memref<400x128xf32, #tpu.memory_space<hbm>>
      tpu.wait_dma2 semaphore(%arg14 : memref<!tpu.dma_semaphore, #tpu.memory_space<semaphore_mem>>) src(%arg8 : memref<400x128xf32, #tpu.memory_space<vmem>>) dst(%dma_wait3A_437 : memref<400x128xf32, #tpu.memory_space<hbm>>)
      %dma_start3A_438 = arith.constant 0 : i32
      %dma_start3A_439 = arith.constant 0 : i32
      %dma_start3A_440 = tpu.memref_slice %arg8[%dma_start3A_438, %dma_start3A_439] : memref<400x128xf32, #tpu.memory_space<vmem>> -> memref<128x128xf32, #tpu.memory_space<vmem>>
      %dma_start3A_441 = arith.constant 0 : i32
      %dma_start3A_442 = tpu.memref_slice %arg6[%dma_start3A_441] : memref<400xi32, #tpu.memory_space<vmem>> -> memref<128xi32, #tpu.memory_space<vmem>>
      %dma_start3A_443 = arith.constant 0 : i32
      %dma_start3A_444 = arith.constant 0 : i32
      %dma_start3A_445 = tpu.memref_slice %arg3[%dma_start3A_443, %dma_start3A_444] : memref<100000x128xf32, #tpu.memory_space<hbm>> -> memref<100000x128xf32, #tpu.memory_space<hbm>>
      tpu.enqueue_indirect_dma source(%dma_start3A_445 : memref<100000x128xf32, #tpu.memory_space<hbm>>) target(%dma_start3A_440 : memref<128x128xf32, #tpu.memory_space<vmem>>) offsets(%dma_start3A_442 : memref<128xi32, #tpu.memory_space<vmem>>) semaphore(%arg12 : memref<!tpu.dma_semaphore, #tpu.memory_space<semaphore_mem>>)
      %dma_start3A_446 = arith.constant 128 : i32
      %dma_start3A_447 = arith.constant 0 : i32
      %dma_start3A_448 = tpu.memref_slice %arg8[%dma_start3A_446, %dma_start3A_447] : memref<400x128xf32, #tpu.memory_space<vmem>> -> memref<128x128xf32, #tpu.memory_space<vmem>>
      %dma_start3A_449 = arith.constant 128 : i32
      %dma_start3A_450 = tpu.memref_slice %arg6[%dma_start3A_449] : memref<400xi32, #tpu.memory_space<vmem>> -> memref<128xi32, #tpu.memory_space<vmem>>
      %dma_start3A_451 = arith.constant 0 : i32
      %dma_start3A_452 = arith.constant 0 : i32
      %dma_start3A_453 = tpu.memref_slice %arg3[%dma_start3A_451, %dma_start3A_452] : memref<100000x128xf32, #tpu.memory_space<hbm>> -> memref<100000x128xf32, #tpu.memory_space<hbm>>
      tpu.enqueue_indirect_dma source(%dma_start3A_453 : memref<100000x128xf32, #tpu.memory_space<hbm>>) target(%dma_start3A_448 : memref<128x128xf32, #tpu.memory_space<vmem>>) offsets(%dma_start3A_450 : memref<128xi32, #tpu.memory_space<vmem>>) semaphore(%arg12 : memref<!tpu.dma_semaphore, #tpu.memory_space<semaphore_mem>>)
      %dma_start3A_454 = arith.constant 256 : i32
      %dma_start3A_455 = arith.constant 0 : i32
      %dma_start3A_456 = tpu.memref_slice %arg8[%dma_start3A_454, %dma_start3A_455] : memref<400x128xf32, #tpu.memory_space<vmem>> -> memref<128x128xf32, #tpu.memory_space<vmem>>
      %dma_start3A_457 = arith.constant 256 : i32
      %dma_start3A_458 = tpu.memref_slice %arg6[%dma_start3A_457] : memref<400xi32, #tpu.memory_space<vmem>> -> memref<128xi32, #tpu.memory_space<vmem>>
      %dma_start3A_459 = arith.constant 0 : i32
      %dma_start3A_460 = arith.constant 0 : i32
      %dma_start3A_461 = tpu.memref_slice %arg3[%dma_start3A_459, %dma_start3A_460] : memref<100000x128xf32, #tpu.memory_space<hbm>> -> memref<100000x128xf32, #tpu.memory_space<hbm>>
      tpu.enqueue_indirect_dma source(%dma_start3A_461 : memref<100000x128xf32, #tpu.memory_space<hbm>>) target(%dma_start3A_456 : memref<128x128xf32, #tpu.memory_space<vmem>>) offsets(%dma_start3A_458 : memref<128xi32, #tpu.memory_space<vmem>>) semaphore(%arg12 : memref<!tpu.dma_semaphore, #tpu.memory_space<semaphore_mem>>)
      %dma_start3A_462 = arith.constant 384 : i32
      %dma_start3A_463 = arith.constant 0 : i32
      %dma_start3A_464 = tpu.memref_slice %arg8[%dma_start3A_462, %dma_start3A_463] : memref<400x128xf32, #tpu.memory_space<vmem>> -> memref<16x128xf32, #tpu.memory_space<vmem>>
      %dma_start3A_465 = arith.constant 384 : i32
      %dma_start3A_466 = tpu.memref_slice %arg6[%dma_start3A_465] : memref<400xi32, #tpu.memory_space<vmem>> -> memref<16xi32, #tpu.memory_space<vmem>>
      %dma_start3A_467 = arith.constant 0 : i32
      %dma_start3A_468 = arith.constant 0 : i32
      %dma_start3A_469 = tpu.memref_slice %arg3[%dma_start3A_467, %dma_start3A_468] : memref<100000x128xf32, #tpu.memory_space<hbm>> -> memref<100000x128xf32, #tpu.memory_space<hbm>>
      tpu.enqueue_indirect_dma source(%dma_start3A_469 : memref<100000x128xf32, #tpu.memory_space<hbm>>) target(%dma_start3A_464 : memref<16x128xf32, #tpu.memory_space<vmem>>) offsets(%dma_start3A_466 : memref<16xi32, #tpu.memory_space<vmem>>) semaphore(%arg12 : memref<!tpu.dma_semaphore, #tpu.memory_space<semaphore_mem>>)
      %mul3A_470 = arith.constant 400 : i32
      %mul3A_471 = arith.muli %add3A_338, %mul3A_470 : i32
      %add3A_472 = arith.addi %mul3A_2, %mul3A_471 : i32
      %dma_wait3A_473 = arith.constant 0 : i32
      %dma_wait3A_474 = arith.constant 0 : i32
      %dma_wait3A_475 = tpu.memref_slice %arg7[%dma_wait3A_473, %dma_wait3A_474] : memref<400x128xf32, #tpu.memory_space<vmem>> -> memref<128x128xf32, #tpu.memory_space<vmem>>
      %dma_wait3A_476 = arith.constant 0 : i32
      %dma_wait3A_477 = tpu.memref_slice %arg5[%dma_wait3A_476] : memref<400xi32, #tpu.memory_space<vmem>> -> memref<128xi32, #tpu.memory_space<vmem>>
      %dma_wait3A_478 = arith.constant 0 : i32
      %dma_wait3A_479 = arith.constant 0 : i32
      %dma_wait3A_480 = tpu.memref_slice %arg3[%dma_wait3A_478, %dma_wait3A_479] : memref<100000x128xf32, #tpu.memory_space<hbm>> -> memref<100000x128xf32, #tpu.memory_space<hbm>>
      tpu.wait_indirect_dma semaphore(%arg11 : memref<!tpu.dma_semaphore, #tpu.memory_space<semaphore_mem>>) src(%dma_wait3A_480 : memref<100000x128xf32, #tpu.memory_space<hbm>>) dst(%dma_wait3A_475 : memref<128x128xf32, #tpu.memory_space<vmem>>)
      %dma_wait3A_481 = arith.constant 128 : i32
      %dma_wait3A_482 = arith.constant 0 : i32
      %dma_wait3A_483 = tpu.memref_slice %arg7[%dma_wait3A_481, %dma_wait3A_482] : memref<400x128xf32, #tpu.memory_space<vmem>> -> memref<128x128xf32, #tpu.memory_space<vmem>>
      %dma_wait3A_484 = arith.constant 128 : i32
      %dma_wait3A_485 = tpu.memref_slice %arg5[%dma_wait3A_484] : memref<400xi32, #tpu.memory_space<vmem>> -> memref<128xi32, #tpu.memory_space<vmem>>
      %dma_wait3A_486 = arith.constant 0 : i32
      %dma_wait3A_487 = arith.constant 0 : i32
      %dma_wait3A_488 = tpu.memref_slice %arg3[%dma_wait3A_486, %dma_wait3A_487] : memref<100000x128xf32, #tpu.memory_space<hbm>> -> memref<100000x128xf32, #tpu.memory_space<hbm>>
      tpu.wait_indirect_dma semaphore(%arg11 : memref<!tpu.dma_semaphore, #tpu.memory_space<semaphore_mem>>) src(%dma_wait3A_488 : memref<100000x128xf32, #tpu.memory_space<hbm>>) dst(%dma_wait3A_483 : memref<128x128xf32, #tpu.memory_space<vmem>>)
      %dma_wait3A_489 = arith.constant 256 : i32
      %dma_wait3A_490 = arith.constant 0 : i32
      %dma_wait3A_491 = tpu.memref_slice %arg7[%dma_wait3A_489, %dma_wait3A_490] : memref<400x128xf32, #tpu.memory_space<vmem>> -> memref<128x128xf32, #tpu.memory_space<vmem>>
      %dma_wait3A_492 = arith.constant 256 : i32
      %dma_wait3A_493 = tpu.memref_slice %arg5[%dma_wait3A_492] : memref<400xi32, #tpu.memory_space<vmem>> -> memref<128xi32, #tpu.memory_space<vmem>>
      %dma_wait3A_494 = arith.constant 0 : i32
      %dma_wait3A_495 = arith.constant 0 : i32
      %dma_wait3A_496 = tpu.memref_slice %arg3[%dma_wait3A_494, %dma_wait3A_495] : memref<100000x128xf32, #tpu.memory_space<hbm>> -> memref<100000x128xf32, #tpu.memory_space<hbm>>
      tpu.wait_indirect_dma semaphore(%arg11 : memref<!tpu.dma_semaphore, #tpu.memory_space<semaphore_mem>>) src(%dma_wait3A_496 : memref<100000x128xf32, #tpu.memory_space<hbm>>) dst(%dma_wait3A_491 : memref<128x128xf32, #tpu.memory_space<vmem>>)
      %dma_wait3A_497 = arith.constant 384 : i32
      %dma_wait3A_498 = arith.constant 0 : i32
      %dma_wait3A_499 = tpu.memref_slice %arg7[%dma_wait3A_497, %dma_wait3A_498] : memref<400x128xf32, #tpu.memory_space<vmem>> -> memref<16x128xf32, #tpu.memory_space<vmem>>
      %dma_wait3A_500 = arith.constant 384 : i32
      %dma_wait3A_501 = tpu.memref_slice %arg5[%dma_wait3A_500] : memref<400xi32, #tpu.memory_space<vmem>> -> memref<16xi32, #tpu.memory_space<vmem>>
      %dma_wait3A_502 = arith.constant 0 : i32
      %dma_wait3A_503 = arith.constant 0 : i32
      %dma_wait3A_504 = tpu.memref_slice %arg3[%dma_wait3A_502, %dma_wait3A_503] : memref<100000x128xf32, #tpu.memory_space<hbm>> -> memref<100000x128xf32, #tpu.memory_space<hbm>>
      tpu.wait_indirect_dma semaphore(%arg11 : memref<!tpu.dma_semaphore, #tpu.memory_space<semaphore_mem>>) src(%dma_wait3A_504 : memref<100000x128xf32, #tpu.memory_space<hbm>>) dst(%dma_wait3A_499 : memref<16x128xf32, #tpu.memory_space<vmem>>)
      %add3A_505 = arith.constant 2 : i32
      %add3A_506 = arith.addi %add3A_338, %add3A_505 : i32
      %mul3A_507 = arith.constant 400 : i32
      %mul3A_508 = arith.muli %add3A_506, %mul3A_507 : i32
      %add3A_509 = arith.addi %mul3A_2, %mul3A_508 : i32
      %dma_start3A_510 = tpu.memref_slice %arg2[%add3A_509] : memref<819200xi32, #tpu.memory_space<hbm>> -> memref<400xi32, #tpu.memory_space<hbm>>
      %dma_start3A_511 = tpu.memref_slice %arg2[%add3A_509] : memref<819200xi32, #tpu.memory_space<hbm>> -> memref<400xi32, #tpu.memory_space<hbm>>
      tpu.enqueue_dma source(%dma_start3A_511 : memref<400xi32, #tpu.memory_space<hbm>>) target(%arg5 : memref<400xi32, #tpu.memory_space<vmem>>) target_semaphore(%arg9 : memref<!tpu.dma_semaphore, #tpu.memory_space<semaphore_mem>>)
      %dma_start3A_512 = arith.constant 0 : i32
      %dma_start3A_513 = tpu.memref_slice %arg4[%add3A_472, %dma_start3A_512] : memref<819200x128xf32, #tpu.memory_space<hbm>> -> memref<400x128xf32, #tpu.memory_space<hbm>>
      %dma_start3A_514 = arith.constant 0 : i32
      %dma_start3A_515 = tpu.memref_slice %arg4[%add3A_472, %dma_start3A_514] : memref<819200x128xf32, #tpu.memory_space<hbm>> -> memref<400x128xf32, #tpu.memory_space<hbm>>
      tpu.enqueue_dma source(%arg7 : memref<400x128xf32, #tpu.memory_space<vmem>>) target(%dma_start3A_515 : memref<400x128xf32, #tpu.memory_space<hbm>>) target_semaphore(%arg13 : memref<!tpu.dma_semaphore, #tpu.memory_space<semaphore_mem>>)
    }
    %scan3A_127 = arith.constant 30 : i32
    %add3A_128 = arith.constant 24800 : i32
    %add3A_129 = arith.addi %mul3A_2, %add3A_128 : i32
    %dma_wait3A_130 = tpu.memref_slice %arg2[%add3A_129] : memref<819200xi32, #tpu.memory_space<hbm>> -> memref<400xi32, #tpu.memory_space<hbm>>
    %dma_wait3A_131 = tpu.memref_slice %arg2[%add3A_129] : memref<819200xi32, #tpu.memory_space<hbm>> -> memref<400xi32, #tpu.memory_space<hbm>>
    tpu.wait_dma2 semaphore(%arg9 : memref<!tpu.dma_semaphore, #tpu.memory_space<semaphore_mem>>) src(%dma_wait3A_131 : memref<400xi32, #tpu.memory_space<hbm>>) dst(%arg5 : memref<400xi32, #tpu.memory_space<vmem>>)
    %dma_wait3A_132 = arith.constant 0 : i32
    %dma_wait3A_133 = tpu.memref_slice %arg4[%add3A_129, %dma_wait3A_132] : memref<819200x128xf32, #tpu.memory_space<hbm>> -> memref<400x128xf32, #tpu.memory_space<hbm>>
    %dma_wait3A_134 = arith.constant 0 : i32
    %dma_wait3A_135 = tpu.memref_slice %arg4[%add3A_129, %dma_wait3A_134] : memref<819200x128xf32, #tpu.memory_space<hbm>> -> memref<400x128xf32, #tpu.memory_space<hbm>>
    tpu.wait_dma2 semaphore(%arg13 : memref<!tpu.dma_semaphore, #tpu.memory_space<semaphore_mem>>) src(%arg7 : memref<400x128xf32, #tpu.memory_space<vmem>>) dst(%dma_wait3A_135 : memref<400x128xf32, #tpu.memory_space<hbm>>)
    %dma_start3A_136 = arith.constant 0 : i32
    %dma_start3A_137 = arith.constant 0 : i32
    %dma_start3A_138 = tpu.memref_slice %arg7[%dma_start3A_136, %dma_start3A_137] : memref<400x128xf32, #tpu.memory_space<vmem>> -> memref<128x128xf32, #tpu.memory_space<vmem>>
    %dma_start3A_139 = arith.constant 0 : i32
    %dma_start3A_140 = tpu.memref_slice %arg5[%dma_start3A_139] : memref<400xi32, #tpu.memory_space<vmem>> -> memref<128xi32, #tpu.memory_space<vmem>>
    %dma_start3A_141 = arith.constant 0 : i32
    %dma_start3A_142 = arith.constant 0 : i32
    %dma_start3A_143 = tpu.memref_slice %arg3[%dma_start3A_141, %dma_start3A_142] : memref<100000x128xf32, #tpu.memory_space<hbm>> -> memref<100000x128xf32, #tpu.memory_space<hbm>>
    tpu.enqueue_indirect_dma source(%dma_start3A_143 : memref<100000x128xf32, #tpu.memory_space<hbm>>) target(%dma_start3A_138 : memref<128x128xf32, #tpu.memory_space<vmem>>) offsets(%dma_start3A_140 : memref<128xi32, #tpu.memory_space<vmem>>) semaphore(%arg11 : memref<!tpu.dma_semaphore, #tpu.memory_space<semaphore_mem>>)
    %dma_start3A_144 = arith.constant 128 : i32
    %dma_start3A_145 = arith.constant 0 : i32
    %dma_start3A_146 = tpu.memref_slice %arg7[%dma_start3A_144, %dma_start3A_145] : memref<400x128xf32, #tpu.memory_space<vmem>> -> memref<128x128xf32, #tpu.memory_space<vmem>>
    %dma_start3A_147 = arith.constant 128 : i32
    %dma_start3A_148 = tpu.memref_slice %arg5[%dma_start3A_147] : memref<400xi32, #tpu.memory_space<vmem>> -> memref<128xi32, #tpu.memory_space<vmem>>
    %dma_start3A_149 = arith.constant 0 : i32
    %dma_start3A_150 = arith.constant 0 : i32
    %dma_start3A_151 = tpu.memref_slice %arg3[%dma_start3A_149, %dma_start3A_150] : memref<100000x128xf32, #tpu.memory_space<hbm>> -> memref<100000x128xf32, #tpu.memory_space<hbm>>
    tpu.enqueue_indirect_dma source(%dma_start3A_151 : memref<100000x128xf32, #tpu.memory_space<hbm>>) target(%dma_start3A_146 : memref<128x128xf32, #tpu.memory_space<vmem>>) offsets(%dma_start3A_148 : memref<128xi32, #tpu.memory_space<vmem>>) semaphore(%arg11 : memref<!tpu.dma_semaphore, #tpu.memory_space<semaphore_mem>>)
    %dma_start3A_152 = arith.constant 256 : i32
    %dma_start3A_153 = arith.constant 0 : i32
    %dma_start3A_154 = tpu.memref_slice %arg7[%dma_start3A_152, %dma_start3A_153] : memref<400x128xf32, #tpu.memory_space<vmem>> -> memref<128x128xf32, #tpu.memory_space<vmem>>
    %dma_start3A_155 = arith.constant 256 : i32
    %dma_start3A_156 = tpu.memref_slice %arg5[%dma_start3A_155] : memref<400xi32, #tpu.memory_space<vmem>> -> memref<128xi32, #tpu.memory_space<vmem>>
    %dma_start3A_157 = arith.constant 0 : i32
    %dma_start3A_158 = arith.constant 0 : i32
    %dma_start3A_159 = tpu.memref_slice %arg3[%dma_start3A_157, %dma_start3A_158] : memref<100000x128xf32, #tpu.memory_space<hbm>> -> memref<100000x128xf32, #tpu.memory_space<hbm>>
    tpu.enqueue_indirect_dma source(%dma_start3A_159 : memref<100000x128xf32, #tpu.memory_space<hbm>>) target(%dma_start3A_154 : memref<128x128xf32, #tpu.memory_space<vmem>>) offsets(%dma_start3A_156 : memref<128xi32, #tpu.memory_space<vmem>>) semaphore(%arg11 : memref<!tpu.dma_semaphore, #tpu.memory_space<semaphore_mem>>)
    %dma_start3A_160 = arith.constant 384 : i32
    %dma_start3A_161 = arith.constant 0 : i32
    %dma_start3A_162 = tpu.memref_slice %arg7[%dma_start3A_160, %dma_start3A_161] : memref<400x128xf32, #tpu.memory_space<vmem>> -> memref<16x128xf32, #tpu.memory_space<vmem>>
    %dma_start3A_163 = arith.constant 384 : i32
    %dma_start3A_164 = tpu.memref_slice %arg5[%dma_start3A_163] : memref<400xi32, #tpu.memory_space<vmem>> -> memref<16xi32, #tpu.memory_space<vmem>>
    %dma_start3A_165 = arith.constant 0 : i32
    %dma_start3A_166 = arith.constant 0 : i32
    %dma_start3A_167 = tpu.memref_slice %arg3[%dma_start3A_165, %dma_start3A_166] : memref<100000x128xf32, #tpu.memory_space<hbm>> -> memref<100000x128xf32, #tpu.memory_space<hbm>>
    tpu.enqueue_indirect_dma source(%dma_start3A_167 : memref<100000x128xf32, #tpu.memory_space<hbm>>) target(%dma_start3A_162 : memref<16x128xf32, #tpu.memory_space<vmem>>) offsets(%dma_start3A_164 : memref<16xi32, #tpu.memory_space<vmem>>) semaphore(%arg11 : memref<!tpu.dma_semaphore, #tpu.memory_space<semaphore_mem>>)
    %add3A_168 = arith.constant 24400 : i32
    %add3A_169 = arith.addi %mul3A_2, %add3A_168 : i32
    %dma_wait3A_170 = arith.constant 0 : i32
    %dma_wait3A_171 = arith.constant 0 : i32
    %dma_wait3A_172 = tpu.memref_slice %arg8[%dma_wait3A_170, %dma_wait3A_171] : memref<400x128xf32, #tpu.memory_space<vmem>> -> memref<128x128xf32, #tpu.memory_space<vmem>>
    %dma_wait3A_173 = arith.constant 0 : i32
    %dma_wait3A_174 = tpu.memref_slice %arg6[%dma_wait3A_173] : memref<400xi32, #tpu.memory_space<vmem>> -> memref<128xi32, #tpu.memory_space<vmem>>
    %dma_wait3A_175 = arith.constant 0 : i32
    %dma_wait3A_176 = arith.constant 0 : i32
    %dma_wait3A_177 = tpu.memref_slice %arg3[%dma_wait3A_175, %dma_wait3A_176] : memref<100000x128xf32, #tpu.memory_space<hbm>> -> memref<100000x128xf32, #tpu.memory_space<hbm>>
    tpu.wait_indirect_dma semaphore(%arg12 : memref<!tpu.dma_semaphore, #tpu.memory_space<semaphore_mem>>) src(%dma_wait3A_177 : memref<100000x128xf32, #tpu.memory_space<hbm>>) dst(%dma_wait3A_172 : memref<128x128xf32, #tpu.memory_space<vmem>>)
    %dma_wait3A_178 = arith.constant 128 : i32
    %dma_wait3A_179 = arith.constant 0 : i32
    %dma_wait3A_180 = tpu.memref_slice %arg8[%dma_wait3A_178, %dma_wait3A_179] : memref<400x128xf32, #tpu.memory_space<vmem>> -> memref<128x128xf32, #tpu.memory_space<vmem>>
    %dma_wait3A_181 = arith.constant 128 : i32
    %dma_wait3A_182 = tpu.memref_slice %arg6[%dma_wait3A_181] : memref<400xi32, #tpu.memory_space<vmem>> -> memref<128xi32, #tpu.memory_space<vmem>>
    %dma_wait3A_183 = arith.constant 0 : i32
    %dma_wait3A_184 = arith.constant 0 : i32
    %dma_wait3A_185 = tpu.memref_slice %arg3[%dma_wait3A_183, %dma_wait3A_184] : memref<100000x128xf32, #tpu.memory_space<hbm>> -> memref<100000x128xf32, #tpu.memory_space<hbm>>
    tpu.wait_indirect_dma semaphore(%arg12 : memref<!tpu.dma_semaphore, #tpu.memory_space<semaphore_mem>>) src(%dma_wait3A_185 : memref<100000x128xf32, #tpu.memory_space<hbm>>) dst(%dma_wait3A_180 : memref<128x128xf32, #tpu.memory_space<vmem>>)
    %dma_wait3A_186 = arith.constant 256 : i32
    %dma_wait3A_187 = arith.constant 0 : i32
    %dma_wait3A_188 = tpu.memref_slice %arg8[%dma_wait3A_186, %dma_wait3A_187] : memref<400x128xf32, #tpu.memory_space<vmem>> -> memref<128x128xf32, #tpu.memory_space<vmem>>
    %dma_wait3A_189 = arith.constant 256 : i32
    %dma_wait3A_190 = tpu.memref_slice %arg6[%dma_wait3A_189] : memref<400xi32, #tpu.memory_space<vmem>> -> memref<128xi32, #tpu.memory_space<vmem>>
    %dma_wait3A_191 = arith.constant 0 : i32
    %dma_wait3A_192 = arith.constant 0 : i32
    %dma_wait3A_193 = tpu.memref_slice %arg3[%dma_wait3A_191, %dma_wait3A_192] : memref<100000x128xf32, #tpu.memory_space<hbm>> -> memref<100000x128xf32, #tpu.memory_space<hbm>>
    tpu.wait_indirect_dma semaphore(%arg12 : memref<!tpu.dma_semaphore, #tpu.memory_space<semaphore_mem>>) src(%dma_wait3A_193 : memref<100000x128xf32, #tpu.memory_space<hbm>>) dst(%dma_wait3A_188 : memref<128x128xf32, #tpu.memory_space<vmem>>)
    %dma_wait3A_194 = arith.constant 384 : i32
    %dma_wait3A_195 = arith.constant 0 : i32
    %dma_wait3A_196 = tpu.memref_slice %arg8[%dma_wait3A_194, %dma_wait3A_195] : memref<400x128xf32, #tpu.memory_space<vmem>> -> memref<16x128xf32, #tpu.memory_space<vmem>>
    %dma_wait3A_197 = arith.constant 384 : i32
    %dma_wait3A_198 = tpu.memref_slice %arg6[%dma_wait3A_197] : memref<400xi32, #tpu.memory_space<vmem>> -> memref<16xi32, #tpu.memory_space<vmem>>
    %dma_wait3A_199 = arith.constant 0 : i32
    %dma_wait3A_200 = arith.constant 0 : i32
    %dma_wait3A_201 = tpu.memref_slice %arg3[%dma_wait3A_199, %dma_wait3A_200] : memref<100000x128xf32, #tpu.memory_space<hbm>> -> memref<100000x128xf32, #tpu.memory_space<hbm>>
    tpu.wait_indirect_dma semaphore(%arg12 : memref<!tpu.dma_semaphore, #tpu.memory_space<semaphore_mem>>) src(%dma_wait3A_201 : memref<100000x128xf32, #tpu.memory_space<hbm>>) dst(%dma_wait3A_196 : memref<16x128xf32, #tpu.memory_space<vmem>>)
    %add3A_202 = arith.constant 25200 : i32
    %add3A_203 = arith.addi %mul3A_2, %add3A_202 : i32
    %dma_start3A_204 = tpu.memref_slice %arg2[%add3A_203] : memref<819200xi32, #tpu.memory_space<hbm>> -> memref<400xi32, #tpu.memory_space<hbm>>
    %dma_start3A_205 = tpu.memref_slice %arg2[%add3A_203] : memref<819200xi32, #tpu.memory_space<hbm>> -> memref<400xi32, #tpu.memory_space<hbm>>
    tpu.enqueue_dma source(%dma_start3A_205 : memref<400xi32, #tpu.memory_space<hbm>>) target(%arg6 : memref<400xi32, #tpu.memory_space<vmem>>) target_semaphore(%arg10 : memref<!tpu.dma_semaphore, #tpu.memory_space<semaphore_mem>>)
    %dma_start3A_206 = arith.constant 0 : i32
    %dma_start3A_207 = tpu.memref_slice %arg4[%add3A_169, %dma_start3A_206] : memref<819200x128xf32, #tpu.memory_space<hbm>> -> memref<400x128xf32, #tpu.memory_space<hbm>>
    %dma_start3A_208 = arith.constant 0 : i32
    %dma_start3A_209 = tpu.memref_slice %arg4[%add3A_169, %dma_start3A_208] : memref<819200x128xf32, #tpu.memory_space<hbm>> -> memref<400x128xf32, #tpu.memory_space<hbm>>
    tpu.enqueue_dma source(%arg8 : memref<400x128xf32, #tpu.memory_space<vmem>>) target(%dma_start3A_209 : memref<400x128xf32, #tpu.memory_space<hbm>>) target_semaphore(%arg14 : memref<!tpu.dma_semaphore, #tpu.memory_space<semaphore_mem>>)
    %add3A_210 = arith.constant 25200 : i32
    %add3A_211 = arith.addi %mul3A_2, %add3A_210 : i32
    %dma_wait3A_212 = tpu.memref_slice %arg2[%add3A_211] : memref<819200xi32, #tpu.memory_space<hbm>> -> memref<400xi32, #tpu.memory_space<hbm>>
    %dma_wait3A_213 = tpu.memref_slice %arg2[%add3A_211] : memref<819200xi32, #tpu.memory_space<hbm>> -> memref<400xi32, #tpu.memory_space<hbm>>
    tpu.wait_dma2 semaphore(%arg10 : memref<!tpu.dma_semaphore, #tpu.memory_space<semaphore_mem>>) src(%dma_wait3A_213 : memref<400xi32, #tpu.memory_space<hbm>>) dst(%arg6 : memref<400xi32, #tpu.memory_space<vmem>>)
    %dma_wait3A_214 = arith.constant 0 : i32
    %dma_wait3A_215 = tpu.memref_slice %arg4[%add3A_211, %dma_wait3A_214] : memref<819200x128xf32, #tpu.memory_space<hbm>> -> memref<400x128xf32, #tpu.memory_space<hbm>>
    %dma_wait3A_216 = arith.constant 0 : i32
    %dma_wait3A_217 = tpu.memref_slice %arg4[%add3A_211, %dma_wait3A_216] : memref<819200x128xf32, #tpu.memory_space<hbm>> -> memref<400x128xf32, #tpu.memory_space<hbm>>
    tpu.wait_dma2 semaphore(%arg14 : memref<!tpu.dma_semaphore, #tpu.memory_space<semaphore_mem>>) src(%arg8 : memref<400x128xf32, #tpu.memory_space<vmem>>) dst(%dma_wait3A_217 : memref<400x128xf32, #tpu.memory_space<hbm>>)
    %dma_start3A_218 = arith.constant 0 : i32
    %dma_start3A_219 = arith.constant 0 : i32
    %dma_start3A_220 = tpu.memref_slice %arg8[%dma_start3A_218, %dma_start3A_219] : memref<400x128xf32, #tpu.memory_space<vmem>> -> memref<128x128xf32, #tpu.memory_space<vmem>>
    %dma_start3A_221 = arith.constant 0 : i32
    %dma_start3A_222 = tpu.memref_slice %arg6[%dma_start3A_221] : memref<400xi32, #tpu.memory_space<vmem>> -> memref<128xi32, #tpu.memory_space<vmem>>
    %dma_start3A_223 = arith.constant 0 : i32
    %dma_start3A_224 = arith.constant 0 : i32
    %dma_start3A_225 = tpu.memref_slice %arg3[%dma_start3A_223, %dma_start3A_224] : memref<100000x128xf32, #tpu.memory_space<hbm>> -> memref<100000x128xf32, #tpu.memory_space<hbm>>
    tpu.enqueue_indirect_dma source(%dma_start3A_225 : memref<100000x128xf32, #tpu.memory_space<hbm>>) target(%dma_start3A_220 : memref<128x128xf32, #tpu.memory_space<vmem>>) offsets(%dma_start3A_222 : memref<128xi32, #tpu.memory_space<vmem>>) semaphore(%arg12 : memref<!tpu.dma_semaphore, #tpu.memory_space<semaphore_mem>>)
    %dma_start3A_226 = arith.constant 128 : i32
    %dma_start3A_227 = arith.constant 0 : i32
    %dma_start3A_228 = tpu.memref_slice %arg8[%dma_start3A_226, %dma_start3A_227] : memref<400x128xf32, #tpu.memory_space<vmem>> -> memref<128x128xf32, #tpu.memory_space<vmem>>
    %dma_start3A_229 = arith.constant 128 : i32
    %dma_start3A_230 = tpu.memref_slice %arg6[%dma_start3A_229] : memref<400xi32, #tpu.memory_space<vmem>> -> memref<128xi32, #tpu.memory_space<vmem>>
    %dma_start3A_231 = arith.constant 0 : i32
    %dma_start3A_232 = arith.constant 0 : i32
    %dma_start3A_233 = tpu.memref_slice %arg3[%dma_start3A_231, %dma_start3A_232] : memref<100000x128xf32, #tpu.memory_space<hbm>> -> memref<100000x128xf32, #tpu.memory_space<hbm>>
    tpu.enqueue_indirect_dma source(%dma_start3A_233 : memref<100000x128xf32, #tpu.memory_space<hbm>>) target(%dma_start3A_228 : memref<128x128xf32, #tpu.memory_space<vmem>>) offsets(%dma_start3A_230 : memref<128xi32, #tpu.memory_space<vmem>>) semaphore(%arg12 : memref<!tpu.dma_semaphore, #tpu.memory_space<semaphore_mem>>)
    %dma_start3A_234 = arith.constant 256 : i32
    %dma_start3A_235 = arith.constant 0 : i32
    %dma_start3A_236 = tpu.memref_slice %arg8[%dma_start3A_234, %dma_start3A_235] : memref<400x128xf32, #tpu.memory_space<vmem>> -> memref<128x128xf32, #tpu.memory_space<vmem>>
    %dma_start3A_237 = arith.constant 256 : i32
    %dma_start3A_238 = tpu.memref_slice %arg6[%dma_start3A_237] : memref<400xi32, #tpu.memory_space<vmem>> -> memref<128xi32, #tpu.memory_space<vmem>>
    %dma_start3A_239 = arith.constant 0 : i32
    %dma_start3A_240 = arith.constant 0 : i32
    %dma_start3A_241 = tpu.memref_slice %arg3[%dma_start3A_239, %dma_start3A_240] : memref<100000x128xf32, #tpu.memory_space<hbm>> -> memref<100000x128xf32, #tpu.memory_space<hbm>>
    tpu.enqueue_indirect_dma source(%dma_start3A_241 : memref<100000x128xf32, #tpu.memory_space<hbm>>) target(%dma_start3A_236 : memref<128x128xf32, #tpu.memory_space<vmem>>) offsets(%dma_start3A_238 : memref<128xi32, #tpu.memory_space<vmem>>) semaphore(%arg12 : memref<!tpu.dma_semaphore, #tpu.memory_space<semaphore_mem>>)
    %dma_start3A_242 = arith.constant 384 : i32
    %dma_start3A_243 = arith.constant 0 : i32
    %dma_start3A_244 = tpu.memref_slice %arg8[%dma_start3A_242, %dma_start3A_243] : memref<400x128xf32, #tpu.memory_space<vmem>> -> memref<16x128xf32, #tpu.memory_space<vmem>>
    %dma_start3A_245 = arith.constant 384 : i32
    %dma_start3A_246 = tpu.memref_slice %arg6[%dma_start3A_245] : memref<400xi32, #tpu.memory_space<vmem>> -> memref<16xi32, #tpu.memory_space<vmem>>
    %dma_start3A_247 = arith.constant 0 : i32
    %dma_start3A_248 = arith.constant 0 : i32
    %dma_start3A_249 = tpu.memref_slice %arg3[%dma_start3A_247, %dma_start3A_248] : memref<100000x128xf32, #tpu.memory_space<hbm>> -> memref<100000x128xf32, #tpu.memory_space<hbm>>
    tpu.enqueue_indirect_dma source(%dma_start3A_249 : memref<100000x128xf32, #tpu.memory_space<hbm>>) target(%dma_start3A_244 : memref<16x128xf32, #tpu.memory_space<vmem>>) offsets(%dma_start3A_246 : memref<16xi32, #tpu.memory_space<vmem>>) semaphore(%arg12 : memref<!tpu.dma_semaphore, #tpu.memory_space<semaphore_mem>>)
    %add3A_250 = arith.constant 24800 : i32
    %add3A_251 = arith.addi %mul3A_2, %add3A_250 : i32
    %dma_wait3A_252 = arith.constant 0 : i32
    %dma_wait3A_253 = arith.constant 0 : i32
    %dma_wait3A_254 = tpu.memref_slice %arg7[%dma_wait3A_252, %dma_wait3A_253] : memref<400x128xf32, #tpu.memory_space<vmem>> -> memref<128x128xf32, #tpu.memory_space<vmem>>
    %dma_wait3A_255 = arith.constant 0 : i32
    %dma_wait3A_256 = tpu.memref_slice %arg5[%dma_wait3A_255] : memref<400xi32, #tpu.memory_space<vmem>> -> memref<128xi32, #tpu.memory_space<vmem>>
    %dma_wait3A_257 = arith.constant 0 : i32
    %dma_wait3A_258 = arith.constant 0 : i32
    %dma_wait3A_259 = tpu.memref_slice %arg3[%dma_wait3A_257, %dma_wait3A_258] : memref<100000x128xf32, #tpu.memory_space<hbm>> -> memref<100000x128xf32, #tpu.memory_space<hbm>>
    tpu.wait_indirect_dma semaphore(%arg11 : memref<!tpu.dma_semaphore, #tpu.memory_space<semaphore_mem>>) src(%dma_wait3A_259 : memref<100000x128xf32, #tpu.memory_space<hbm>>) dst(%dma_wait3A_254 : memref<128x128xf32, #tpu.memory_space<vmem>>)
    %dma_wait3A_260 = arith.constant 128 : i32
    %dma_wait3A_261 = arith.constant 0 : i32
    %dma_wait3A_262 = tpu.memref_slice %arg7[%dma_wait3A_260, %dma_wait3A_261] : memref<400x128xf32, #tpu.memory_space<vmem>> -> memref<128x128xf32, #tpu.memory_space<vmem>>
    %dma_wait3A_263 = arith.constant 128 : i32
    %dma_wait3A_264 = tpu.memref_slice %arg5[%dma_wait3A_263] : memref<400xi32, #tpu.memory_space<vmem>> -> memref<128xi32, #tpu.memory_space<vmem>>
    %dma_wait3A_265 = arith.constant 0 : i32
    %dma_wait3A_266 = arith.constant 0 : i32
    %dma_wait3A_267 = tpu.memref_slice %arg3[%dma_wait3A_265, %dma_wait3A_266] : memref<100000x128xf32, #tpu.memory_space<hbm>> -> memref<100000x128xf32, #tpu.memory_space<hbm>>
    tpu.wait_indirect_dma semaphore(%arg11 : memref<!tpu.dma_semaphore, #tpu.memory_space<semaphore_mem>>) src(%dma_wait3A_267 : memref<100000x128xf32, #tpu.memory_space<hbm>>) dst(%dma_wait3A_262 : memref<128x128xf32, #tpu.memory_space<vmem>>)
    %dma_wait3A_268 = arith.constant 256 : i32
    %dma_wait3A_269 = arith.constant 0 : i32
    %dma_wait3A_270 = tpu.memref_slice %arg7[%dma_wait3A_268, %dma_wait3A_269] : memref<400x128xf32, #tpu.memory_space<vmem>> -> memref<128x128xf32, #tpu.memory_space<vmem>>
    %dma_wait3A_271 = arith.constant 256 : i32
    %dma_wait3A_272 = tpu.memref_slice %arg5[%dma_wait3A_271] : memref<400xi32, #tpu.memory_space<vmem>> -> memref<128xi32, #tpu.memory_space<vmem>>
    %dma_wait3A_273 = arith.constant 0 : i32
    %dma_wait3A_274 = arith.constant 0 : i32
    %dma_wait3A_275 = tpu.memref_slice %arg3[%dma_wait3A_273, %dma_wait3A_274] : memref<100000x128xf32, #tpu.memory_space<hbm>> -> memref<100000x128xf32, #tpu.memory_space<hbm>>
    tpu.wait_indirect_dma semaphore(%arg11 : memref<!tpu.dma_semaphore, #tpu.memory_space<semaphore_mem>>) src(%dma_wait3A_275 : memref<100000x128xf32, #tpu.memory_space<hbm>>) dst(%dma_wait3A_270 : memref<128x128xf32, #tpu.memory_space<vmem>>)
    %dma_wait3A_276 = arith.constant 384 : i32
    %dma_wait3A_277 = arith.constant 0 : i32
    %dma_wait3A_278 = tpu.memref_slice %arg7[%dma_wait3A_276, %dma_wait3A_277] : memref<400x128xf32, #tpu.memory_space<vmem>> -> memref<16x128xf32, #tpu.memory_space<vmem>>
    %dma_wait3A_279 = arith.constant 384 : i32
    %dma_wait3A_280 = tpu.memref_slice %arg5[%dma_wait3A_279] : memref<400xi32, #tpu.memory_space<vmem>> -> memref<16xi32, #tpu.memory_space<vmem>>
    %dma_wait3A_281 = arith.constant 0 : i32
    %dma_wait3A_282 = arith.constant 0 : i32
    %dma_wait3A_283 = tpu.memref_slice %arg3[%dma_wait3A_281, %dma_wait3A_282] : memref<100000x128xf32, #tpu.memory_space<hbm>> -> memref<100000x128xf32, #tpu.memory_space<hbm>>
    tpu.wait_indirect_dma semaphore(%arg11 : memref<!tpu.dma_semaphore, #tpu.memory_space<semaphore_mem>>) src(%dma_wait3A_283 : memref<100000x128xf32, #tpu.memory_space<hbm>>) dst(%dma_wait3A_278 : memref<16x128xf32, #tpu.memory_space<vmem>>)
    %dma_start3A_284 = arith.constant 0 : i32
    %dma_start3A_285 = tpu.memref_slice %arg4[%add3A_251, %dma_start3A_284] : memref<819200x128xf32, #tpu.memory_space<hbm>> -> memref<400x128xf32, #tpu.memory_space<hbm>>
    %dma_start3A_286 = arith.constant 0 : i32
    %dma_start3A_287 = tpu.memref_slice %arg4[%add3A_251, %dma_start3A_286] : memref<819200x128xf32, #tpu.memory_space<hbm>> -> memref<400x128xf32, #tpu.memory_space<hbm>>
    tpu.enqueue_dma source(%arg7 : memref<400x128xf32, #tpu.memory_space<vmem>>) target(%dma_start3A_287 : memref<400x128xf32, #tpu.memory_space<hbm>>) target_semaphore(%arg13 : memref<!tpu.dma_semaphore, #tpu.memory_space<semaphore_mem>>)
    %add3A_288 = arith.constant 25200 : i32
    %add3A_289 = arith.addi %mul3A_2, %add3A_288 : i32
    %dma_wait3A_290 = arith.constant 0 : i32
    %dma_wait3A_291 = arith.constant 0 : i32
    %dma_wait3A_292 = tpu.memref_slice %arg8[%dma_wait3A_290, %dma_wait3A_291] : memref<400x128xf32, #tpu.memory_space<vmem>> -> memref<128x128xf32, #tpu.memory_space<vmem>>
    %dma_wait3A_293 = arith.constant 0 : i32
    %dma_wait3A_294 = tpu.memref_slice %arg6[%dma_wait3A_293] : memref<400xi32, #tpu.memory_space<vmem>> -> memref<128xi32, #tpu.memory_space<vmem>>
    %dma_wait3A_295 = arith.constant 0 : i32
    %dma_wait3A_296 = arith.constant 0 : i32
    %dma_wait3A_297 = tpu.memref_slice %arg3[%dma_wait3A_295, %dma_wait3A_296] : memref<100000x128xf32, #tpu.memory_space<hbm>> -> memref<100000x128xf32, #tpu.memory_space<hbm>>
    tpu.wait_indirect_dma semaphore(%arg12 : memref<!tpu.dma_semaphore, #tpu.memory_space<semaphore_mem>>) src(%dma_wait3A_297 : memref<100000x128xf32, #tpu.memory_space<hbm>>) dst(%dma_wait3A_292 : memref<128x128xf32, #tpu.memory_space<vmem>>)
    %dma_wait3A_298 = arith.constant 128 : i32
    %dma_wait3A_299 = arith.constant 0 : i32
    %dma_wait3A_300 = tpu.memref_slice %arg8[%dma_wait3A_298, %dma_wait3A_299] : memref<400x128xf32, #tpu.memory_space<vmem>> -> memref<128x128xf32, #tpu.memory_space<vmem>>
    %dma_wait3A_301 = arith.constant 128 : i32
    %dma_wait3A_302 = tpu.memref_slice %arg6[%dma_wait3A_301] : memref<400xi32, #tpu.memory_space<vmem>> -> memref<128xi32, #tpu.memory_space<vmem>>
    %dma_wait3A_303 = arith.constant 0 : i32
    %dma_wait3A_304 = arith.constant 0 : i32
    %dma_wait3A_305 = tpu.memref_slice %arg3[%dma_wait3A_303, %dma_wait3A_304] : memref<100000x128xf32, #tpu.memory_space<hbm>> -> memref<100000x128xf32, #tpu.memory_space<hbm>>
    tpu.wait_indirect_dma semaphore(%arg12 : memref<!tpu.dma_semaphore, #tpu.memory_space<semaphore_mem>>) src(%dma_wait3A_305 : memref<100000x128xf32, #tpu.memory_space<hbm>>) dst(%dma_wait3A_300 : memref<128x128xf32, #tpu.memory_space<vmem>>)
    %dma_wait3A_306 = arith.constant 256 : i32
    %dma_wait3A_307 = arith.constant 0 : i32
    %dma_wait3A_308 = tpu.memref_slice %arg8[%dma_wait3A_306, %dma_wait3A_307] : memref<400x128xf32, #tpu.memory_space<vmem>> -> memref<128x128xf32, #tpu.memory_space<vmem>>
    %dma_wait3A_309 = arith.constant 256 : i32
    %dma_wait3A_310 = tpu.memref_slice %arg6[%dma_wait3A_309] : memref<400xi32, #tpu.memory_space<vmem>> -> memref<128xi32, #tpu.memory_space<vmem>>
    %dma_wait3A_311 = arith.constant 0 : i32
    %dma_wait3A_312 = arith.constant 0 : i32
    %dma_wait3A_313 = tpu.memref_slice %arg3[%dma_wait3A_311, %dma_wait3A_312] : memref<100000x128xf32, #tpu.memory_space<hbm>> -> memref<100000x128xf32, #tpu.memory_space<hbm>>
    tpu.wait_indirect_dma semaphore(%arg12 : memref<!tpu.dma_semaphore, #tpu.memory_space<semaphore_mem>>) src(%dma_wait3A_313 : memref<100000x128xf32, #tpu.memory_space<hbm>>) dst(%dma_wait3A_308 : memref<128x128xf32, #tpu.memory_space<vmem>>)
    %dma_wait3A_314 = arith.constant 384 : i32
    %dma_wait3A_315 = arith.constant 0 : i32
    %dma_wait3A_316 = tpu.memref_slice %arg8[%dma_wait3A_314, %dma_wait3A_315] : memref<400x128xf32, #tpu.memory_space<vmem>> -> memref<16x128xf32, #tpu.memory_space<vmem>>
    %dma_wait3A_317 = arith.constant 384 : i32
    %dma_wait3A_318 = tpu.memref_slice %arg6[%dma_wait3A_317] : memref<400xi32, #tpu.memory_space<vmem>> -> memref<16xi32, #tpu.memory_space<vmem>>
    %dma_wait3A_319 = arith.constant 0 : i32
    %dma_wait3A_320 = arith.constant 0 : i32
    %dma_wait3A_321 = tpu.memref_slice %arg3[%dma_wait3A_319, %dma_wait3A_320] : memref<100000x128xf32, #tpu.memory_space<hbm>> -> memref<100000x128xf32, #tpu.memory_space<hbm>>
    tpu.wait_indirect_dma semaphore(%arg12 : memref<!tpu.dma_semaphore, #tpu.memory_space<semaphore_mem>>) src(%dma_wait3A_321 : memref<100000x128xf32, #tpu.memory_space<hbm>>) dst(%dma_wait3A_316 : memref<16x128xf32, #tpu.memory_space<vmem>>)
    %dma_start3A_322 = arith.constant 0 : i32
    %dma_start3A_323 = tpu.memref_slice %arg4[%add3A_289, %dma_start3A_322] : memref<819200x128xf32, #tpu.memory_space<hbm>> -> memref<400x128xf32, #tpu.memory_space<hbm>>
    %dma_start3A_324 = arith.constant 0 : i32
    %dma_start3A_325 = tpu.memref_slice %arg4[%add3A_289, %dma_start3A_324] : memref<819200x128xf32, #tpu.memory_space<hbm>> -> memref<400x128xf32, #tpu.memory_space<hbm>>
    tpu.enqueue_dma source(%arg8 : memref<400x128xf32, #tpu.memory_space<vmem>>) target(%dma_start3A_325 : memref<400x128xf32, #tpu.memory_space<hbm>>) target_semaphore(%arg14 : memref<!tpu.dma_semaphore, #tpu.memory_space<semaphore_mem>>)
    %dma_wait3A_326 = arith.constant 0 : i32
    %dma_wait3A_327 = tpu.memref_slice %arg4[%mul3A_2, %dma_wait3A_326] : memref<819200x128xf32, #tpu.memory_space<hbm>> -> memref<400x128xf32, #tpu.memory_space<hbm>>
    %dma_wait3A_328 = arith.constant 0 : i32
    %dma_wait3A_329 = tpu.memref_slice %arg4[%mul3A_2, %dma_wait3A_328] : memref<819200x128xf32, #tpu.memory_space<hbm>> -> memref<400x128xf32, #tpu.memory_space<hbm>>
    tpu.wait_dma2 semaphore(%arg13 : memref<!tpu.dma_semaphore, #tpu.memory_space<semaphore_mem>>) src(%arg7 : memref<400x128xf32, #tpu.memory_space<vmem>>) dst(%dma_wait3A_329 : memref<400x128xf32, #tpu.memory_space<hbm>>)
    %dma_wait3A_330 = arith.constant 0 : i32
    %dma_wait3A_331 = tpu.memref_slice %arg4[%mul3A_2, %dma_wait3A_330] : memref<819200x128xf32, #tpu.memory_space<hbm>> -> memref<400x128xf32, #tpu.memory_space<hbm>>
    %dma_wait3A_332 = arith.constant 0 : i32
    %dma_wait3A_333 = tpu.memref_slice %arg4[%mul3A_2, %dma_wait3A_332] : memref<819200x128xf32, #tpu.memory_space<hbm>> -> memref<400x128xf32, #tpu.memory_space<hbm>>
    tpu.wait_dma2 semaphore(%arg14 : memref<!tpu.dma_semaphore, #tpu.memory_space<semaphore_mem>>) src(%arg8 : memref<400x128xf32, #tpu.memory_space<vmem>>) dst(%dma_wait3A_333 : memref<400x128xf32, #tpu.memory_space<hbm>>)
    return
  }
}

</mosaic_0001>

<sc_bundles>
// kernel: kernel.3.cloned.1.call-start
scs
__scs_entry_jumppad:
0x0: {  	(pc) =	sbr.rel $0x88, $3  }
0x1: {  	(tag) =	ssettag $0x0;
	lr =	simm.s32 $0x1  }
0x2: {  	[smem:$0x3F9F] =	sst lr;
	_ =	strace $0xD0000000  }
0x3: {  	_ = 	snop  }
0x4: {  	_ = 	snop  }
0x5: {  	_ = 	snop  }
0x6: {  	_ = 	snop  }
0x7: {  	_ = 	snop  }
__scs_overlays_trampoline_lowered:
0x8: {  	[smem:$0x3FAE] =	sst s0  }
0x9: {  	[smem:$0x3FAF] =	sst s1  }
0xa: {  	[smem:$0x3FB0] =	sst s2  }
0xb: {  	[smem:$0x3FB1] =	sst s3  }
0xc: {  	[smem:$0x3FB2] =	sst s4  }
0xd: {  	[smem:$0x3FB3] =	sst s5  }
0xe: {  	[smem:$0x3FB4] =	sst s6  }
0xf: {  	[smem:$0x3FB5] =	sst s7  }
0x10: {  	[smem:$0x3FB6] =	sst s8  }
0x11: {  	[smem:$0x3FB7] =	sst s9;
	s0 =	simm.s32 @!p0 $0x0  }
0x12: {  	s1 =	sld [smem:$0x3F9D];
	s0 =	simm.s32 @p0 $0x1  }
0x13: {  	[smem:$0x3FB8] =	sst s0;
	s0 =	simm.s32 @!p1 $0x0  }
0x14: {  	s2 =	sld [smem:$0x3F9C];
	s0 =	simm.s32 @p1 $0x1  }
0x15: {  	[smem:$0x3FB9] =	sst s0;
	s0 =	simm.s32 @!p2 $0x0  }
0x16: {  	s3 =	sld [smem:$0x3FDB];
	s0 =	simm.s32 @p2 $0x1  }
0x17: {  	s4 =	simm.s32 $0x1BF5;
	[smem:$0x3FBB] =	sst s0  }
0x18: {  	s0 =	sld [smem:$0x3F9E];
	_ =	swait.ge [sflag:s4], $0x0  }
0x19: {  	s7 =	sld [smem:$0x3F9F]  }
0x1a: {  	s8 =	sadd.s32 $0xFFFFE003, lr  }
0x1b: {  	s9 =	sadd.s32 $0xFFFFFEF7, lr;
	s5 =	simm.s32 $0xFFFFFFFF;
	p2 =	slt.u32 s8, $0xFFFFF086  }
0x1c: {  	p1 =	slt.u32 s9, $0xF7A;
	s5 =	simm.s32 @!p2 $0x0  }
0x1d: {  	s5 =	simm.s32 @p1 $0x1;
	p0 =	seq.s32 s7, s2  }
0x1e: {  	s7 =	smul.u32 @!p0 $0xF7A, s2;
	p2 =	seq.s32 @!p0 s5, $0x0  }
0x1f: {  	s9 =	smul.u32 $0xF7A, s1;
	s8 =	simm.s32 @!p0 $0x1BF5;
	p2 =	por !p2, p0  }
0x20: {  	[sflag:s8] =	ssyncset.s32 @!p0 $0xFFFFF086;
	s6 =	sadd.s32 @!p0 s3, s7;
	s7 =	simm.s32 @!p0 $0x108  }
0x21: {  	s3 =	sadd.s32 s3, s9;
	s6 =	sadd.s32 @!p0 $0x88, s6;
	s7 =	simm.s32 @p2 $0x1082  }
0x22: {  	[simem:s7], [sflag:s8] =	dma.local @!p0 [hbm:s6], $0xF7A  }
0x23: {  	s9 =	sor.u32 $0xD0000000, s2;
	s6 =	simm.s32 $0x108;
	_ =	swait.ge @!p0 [sflag:s8], $0x0  }
0x24: {  	s3 =	sadd.s32 $0x88, s3;
	s6 =	simm.s32 @!p1 $0x1082;
	[sflag:s4] =	ssyncset.s32 $0xFFFFF086  }
0x25: {  	[simem:s6], [sflag:s4] =	dma.local [hbm:s3], $0xF7A  }
0x26: {  	[smem:$0x3F9F] =	sst s1;
	(tag) =	ssettag s2;
	_ =	strace s9  }
0x27: {  	s1 =	sld [smem:$0x3FAF]  }
0x28: {  	s2 =	sld [smem:$0x3FB0]  }
0x29: {  	s4 =	sld [smem:$0x3FB2]  }
0x2a: {  	p0 =	seq.s32 s5, $0x0;
	s5 =	sld [smem:$0x3FB3]  }
0x2b: {  	s6 =	sld [smem:$0x3FB4]  }
0x2c: {  	s7 =	sld [smem:$0x3FB5]  }
0x2d: {  	s3 =	simm.s32 $0x108;
	s8 =	sld [smem:$0x3FB6]  }
0x2e: {  	s3 =	simm.s32 @!p0 $0x1082;
	s9 =	sld [smem:$0x3FB7]  }
0x2f: {  	lr =	sadd.s32 s0, s3;
	s0 =	sld [smem:$0x3FAE]  }
0x30: {  	s3 =	sld [smem:$0x3FB1]  }
0x31: {  	[smem:$0x3FBA] =	sst s10  }
0x32: {  	s10 =	sld [smem:$0x3FB8];
	_ =	sdelay $0x3  }
0x33: {  	p0 =	seq.s32 s10, $0x1;
	s10 =	sld [smem:$0x3FBA];
	_ =	sdelay $0x3  }
0x34: {  	[smem:$0x3FBA] =	sst s10  }
0x35: {  	s10 =	sld [smem:$0x3FB9];
	_ =	sdelay $0x3  }
0x36: {  	p1 =	seq.s32 s10, $0x1;
	s10 =	sld [smem:$0x3FBA];
	_ =	sdelay $0x3  }
0x37: {  	[smem:$0x3FBA] =	sst s10  }
0x38: {  	s10 =	sld [smem:$0x3FBB]  }
0x39: {  	_ = 	snop;
	(pc) =	sbr.ind lr, $3  }
0x3a: {  	_ = 	snop  }
0x3b: {  	_ = 	snop  }
0x3c: {  	p2 =	seq.s32 s10, $0x1;
	s10 =	sld [smem:$0x3FBA]  }
0x3d: {  	_ =	shalt  }
0x3e: {  	_ =	shalt  }
0x3f: {  	_ =	shalt  }
0x40: {  	_ =	shalt  }
0x41: {  	_ =	shalt  }
0x42: {  	_ =	shalt  }
0x43: {  	_ =	shalt  }
0x44: {  	_ =	shalt  }
0x45: {  	_ =	shalt  }
0x46: {  	_ =	shalt  }
0x47: {  	_ =	shalt  }
0x48: {  	_ =	shalt  }
0x49: {  	_ =	shalt  }
0x4a: {  	_ =	shalt  }
0x4b: {  	_ =	shalt  }
0x4c: {  	_ =	shalt  }
0x4d: {  	_ =	shalt  }
0x4e: {  	_ =	shalt  }
0x4f: {  	_ =	shalt  }
0x50: {  	_ =	shalt  }
0x51: {  	_ =	shalt  }
0x52: {  	_ =	shalt  }
0x53: {  	_ =	shalt  }
0x54: {  	_ =	shalt  }
0x55: {  	_ =	shalt  }
0x56: {  	_ =	shalt  }
0x57: {  	_ =	shalt  }
0x58: {  	_ =	shalt  }
0x59: {  	_ =	shalt  }
0x5a: {  	_ =	shalt  }
0x5b: {  	_ =	shalt  }
0x5c: {  	_ =	shalt  }
0x5d: {  	_ =	shalt  }
0x5e: {  	_ =	shalt  }
0x5f: {  	_ =	shalt  }
0x60: {  	_ =	shalt  }
0x61: {  	_ =	shalt  }
0x62: {  	_ =	shalt  }
0x63: {  	_ =	shalt  }
0x64: {  	_ =	shalt  }
0x65: {  	_ =	shalt  }
0x66: {  	_ =	shalt  }
0x67: {  	_ =	shalt  }
0x68: {  	_ =	shalt  }
0x69: {  	_ =	shalt  }
0x6a: {  	_ =	shalt  }
0x6b: {  	_ =	shalt  }
0x6c: {  	_ =	shalt  }
0x6d: {  	_ =	shalt  }
0x6e: {  	_ =	shalt  }
0x6f: {  	_ =	shalt  }
0x70: {  	_ =	shalt  }
0x71: {  	_ =	shalt  }
0x72: {  	_ =	shalt  }
0x73: {  	_ =	shalt  }
0x74: {  	_ =	shalt  }
0x75: {  	_ =	shalt  }
0x76: {  	_ =	shalt  }
0x77: {  	_ =	shalt  }
0x78: {  	_ =	shalt  }
0x79: {  	_ =	shalt  }
0x7a: {  	_ =	shalt  }
0x7b: {  	_ =	shalt  }
0x7c: {  	_ =	shalt  }
0x7d: {  	_ =	shalt  }
0x7e: {  	_ =	shalt  }
0x7f: {  	_ =	shalt  }
0x80: {  	_ =	shalt  }
0x81: {  	_ =	shalt  }
0x82: {  	_ =	shalt  }
0x83: {  	_ =	shalt  }
0x84: {  	_ =	shalt  }
0x85: {  	_ =	shalt  }
0x86: {  	_ =	shalt  }
0x87: {  	_ =	shalt  }
.Lfunc_end0:
.L_simem_size_0:
called_computation_lowered:
.L_overlay_start_0:
0x88: {  	s2 =	sld [smem:$0x3FD9]  }
0x89: {  	s3 =	sld [smem:$0x3FFE];
	_ =	sdelay $0x1  }
0x8a: {  	s1 =	srdreg.scid  }
0x8b: {  	s0 =	sand.u32 $0x1, s1  }
0x8c: {  	s17 =	sshll.u32 s0, $0xA;
	s2 =	sadd.s32 s3, s2  }
0x8d: {  	s2 =	sadd.s32 s2, s17  }
0x8e: {  	[smem:$0x3FC6] =	sst s2  }
0x8f: {  	_ = 	snop  }
0x90: {  	s2 =	sld [smem:$0x3FC8]  }
0x91: {  	s18 =	sld [smem:$0x3FD0];
	(tm) =	ssettm $0x1  }
0x92: {  	s4 =	sld [smem:$0x3FFB];
	_ =	sdelay $0x3  }
0x93: {  	_ =	strace s4  }
0x94: {  	s4 =	sld [smem:$0x3FFC];
	_ =	sdelay $0x3  }
0x95: {  	_ =	strace s4  }
0x96: {  	s4 =	sld [smem:$0x3FFD];
	_ =	sdelay $0x3  }
0x97: {  	_ =	strace s4  }
0x98: {  	_ =	strace $0x8FFFFFFF  }
0x99: {  	s19 =	sld [smem:$0x3FDB];
	_ =	sdelay $0x1  }
0x9a: {  	s5 =	simm.s32 $_scs_section_size  }
0x9b: {  	s6 =	simm.s32 $_size__tile_overlayer_lowered;
	s7 =	simm.s32 $_tile_overlayer_lowered  }
0x9c: {  	s22 =	simm.s32 $0x1BFF;
	s21 =	sshll.u32 s7, $0x1;
	s4 =	sadd.s32 s5, s19  }
0x9d: {  	s8 =	simm.s32 $0x0;
	s20 =	sshll.u32 s6, $0x1;
	s6 =	sadd.s32 s21, s4  }
0x9e: {  	[timem:s8], [sflag:s22] =	dma.local [hbm:s6], s20  }
0x9f: {  	_ =	swait.ge [sflag:s22], s20  }
0xa0: {  	s5 =	ssub.s32 $0x0, s20;
	[sflag:s22] =	ssyncset.done $0x0  }
0xa1: {  	[sflag:s22] =	ssyncadd.s32 s5;
	_ =	sdelay $0x1  }
0xa2: {  	s23 =	simm.s32 $0x1B8B  }
0xa3: {  	_ =	swait.ge [sflag:s23], $0x1  }
0xa4: {  	[sflag:s23] =	ssyncset.done $0x0  }
0xa5: {  	s25 =	simm.s32 $0x1B8E;
	s24 =	sld [smem:$0x3FFE];
	[sflag:s23] =	ssyncadd.s32 $0xFFFFFFFF  }
0xa6: {  	s26 =	simm.s32 $execute0_lowered;
	[smem:$0x3FD2] =	sst s25  }
0xa7: {  	s6 =	sshll.u32 s26, $0x1;
	_ =	strace $0x80000046;
	[dreg:$0x1] =	wrdreg $0xFFFFFFFF  }
0xa8: {  	s28 =	simm.s32 $_size_execute0_lowered;
	s4 =	sadd.s32 s4, s6;
	[dreg:$0x0] =	wrdreg $0x0  }
0xa9: {  	s6 =	sshll.u32 s28, $0x1;
	[dreg:$0x2] =	wrdreg s4  }
0xaa: {  	[dreg:$0x3] =	wrdreg s6  }
0xab: {  	[dreg:$0x4] =	wrdreg $0xC0  }
0xac: {  	_ =	task [dreg:s8], $0x5FFFF  }
0xad: {  	[dreg:$0x1] =	wrdreg $0xFFFFFFFF  }
0xae: {  	[dreg:$0x0] =	wrdreg $0x60  }
0xaf: {  	[dreg:$0x2] =	wrdreg s24  }
0xb0: {  	[dreg:$0x3] =	wrdreg s2  }
0xb1: {  	[dreg:$0x4] =	wrdreg s18  }
0xb2: {  	[dreg:$0x5] =	wrdreg $0x9  }
0xb3: {  	_ =	task.clear_ibuf [dreg:s8], $0x6FFFF;
	_ =	strace $0x90000046  }
0xb4: {  	s29 =	simm.s32 $0x9;
	_ =	strace $0x80000048  }
0xb5: {  	_ =	swait.ge [sflag:s29], $0x1  }
0xb6: {  	[sflag:s29] =	ssyncadd.s32 $0xFFFFFFFF  }
0xb7: {  	_ =	strace $0x90000048  }
0xb8: {  	_ =	sfence  }
0xb9: {  	s30 =	sld [smem:$0x0];
	_ =	sdelay $0x2  }
0xba: {  	s31 =	sshll.u32 s1, $0xD;
	s1 =	sshrl.u32 s1, $0x2  }
0xbb: {  	s3 =	sand.u32 $0x4000, s31;
	s1 =	sadd.s32 s1, s30  }
0xbc: {  	s0 =	sor.u32 s3, s0;
	s1 =	sshll.u32 s1, $0x11  }
0xbd: {  	s0 =	sor.u32 s1, s0  }
0xbe: {  	s0 =	sadd.s32 $0x8F2B, s0  }
0xbf: {  	[sflag:s0] =	ssyncadd.remote.s32 $0x1  }
0xc0: {  	_ =	sfence.sel $0xFFFF  }
0xc1: {  	[dreg:$0x0] =	wrdreg $0xFFFFFFFF;
	(pc) =	sbr.abs _section_cstart, $3  }
0xc2: {  	[dreg:$0x1] =	wrdreg $0xFFFFFFFF  }
0xc3: {  	_ =	task.clear_ibuf [dreg:s8], $0x2FFFF;
	_ =	strace $0x9FFFFFFF  }
0xc4: {  	(tm) =	ssettm $0x7FFFFFFF  }
0xc5: {  	_ =	shalt  }
tec
execute0_lowered:
.L_overlay_start_1:
0x0: {  	(tag) =	ssettag $0x1  }
0x1: {  	s0 =	rddreg [dreg:$0x0]  }
0x2: {  	s2 =	rddreg [dreg:$0x1];
	s1 =	srdreg.scid  }
0x3: {  	s13 =	stileid.u32;
	s5 =	rddreg [dreg:$0x2]  }
0x4: {  	s3 =	simm.s32 $0x0;
	s14 =	simm.s32 $0x200;
	s17 =	smul.u32 $0xC800, s13  }
0x5: {  	s28 =	simm.s32 $0x10C00;
	s1 =	sand.u32 $0x1, s1;
	s25 =	smul.u32 $0xC8000, s13  }
0x6: {  	s29 =	simm.s32 $0x300;
	s4 =	sshll.u32 s13, $0x1;
	s12 =	smul.u32 $0x6400, s1  }
0x7: {  	s6 =	sor.u32 s1, s4;
	s8 =	ssub.s32 $0x2, s1;
	s1 =	smul.u32 $0x64000, s1  }
0x8: {  	s30 =	simm.s32 $0x14C00;
	s31 =	simm.s32 $0x380;
	s7 =	smul.u32 $0x6400, s6  }
0x9: {  	[smem:$0x7FF] =	sst s3;
	s0 =	sadd.s32 $0x400, s0;
	s10 =	smul.u32 $0x64000, s6  }
0xa: {  	_ =	strace $0x80000047;
	s9 =	sshrl.u32 s8, $0x1;
	s6 =	smul.u32 $0x320000, s6  }
0xb: {  	s8 =	ssub.s32 s8, s9;
	s9 =	sadd.s32 s12, s17;
	s17 =	simm.s32 $0x400  }
0xc: {  	s15 =	sshrl.u32 s7, $0x3;
	s7 =	sadd.s32 $0x6270, s7;
	s6 =	sshrl.u32 s6, $0x3  }
0xd: {  	s18 =	sadd.s32 s5, s10;
	s23 =	sadd.s32 $0x640, s9;
	s24 =	sadd.s32 $0x4B0, s9  }
0xe: {  	s12 =	smax.u32 s8, $0x1;
	s8 =	simm.s32 $0x0;
	s4 =	sadd.s32 s0, s15  }
0xf: {  	s11 =	sshrl.u32 s7, $0x3;
	[dreg:$0x9] =	wrdreg s18;
	s6 =	sadd.s32 s5, s6  }
0x10: {  	s7 =	sshll.u32 s7, $0x4;
	s15 =	simm.s32 $0x1;
	s18 =	simm.s32 $0x4400  }
0x11: {  	s16 =	sadd.s32 $0x32, s4;
	[dreg:$0x6] =	wrdreg s4;
	s4 =	sadd.s32 $0x64, s4  }
0x12: {  	s19 =	sadd.s32 s0, s11;
	s20 =	sadd.s32 $0x5F500, s6;
	[dreg:$0x7] =	wrdreg s16  }
0x13: {  	s21 =	sadd.s32 $0x60E00, s6;
	s22 =	sadd.s32 s5, s7;
	[dreg:$0x8] =	wrdreg s4  }
0x14: {  	s6 =	sshrl.u32 s23, $0x3;
	s7 =	sshrl.u32 s24, $0x3;
	[dreg:$0xa] =	wrdreg s19  }
0x15: {  	s5 =	sadd.s32 s25, s5;
	s23 =	simm.s32 $0xC400;
	[dreg:$0xb] =	wrdreg s20  }
0x16: {  	s24 =	simm.s32 $0x2;
	s25 =	simm.s32 $0xCC00;
	[dreg:$0xc] =	wrdreg s21  }
0x17: {  	[dreg:$0xd] =	wrdreg s22;
	s6 =	sadd.s32 s6, s0;
	s0 =	sadd.s32 s7, s0  }
0x18: {  	s26 =	sadd.s32 s1, s5;
	s16 =	simm.s32 $0x80;
	s19 =	simm.s32 $0x100  }
0x19: {  	s20 =	simm.s32 $0x8400;
	s21 =	simm.s32 $0x10;
	s22 =	simm.s32 $0x180  }
0x1a: {  	s1 =	simm.s32 $0x18C00;
	s5 =	simm.s32 $0x5;
	[dreg:$0x4] =	wrdreg s6  }
0x1b: {  	s7 =	simm.s32 $0x6;
	[dreg:$0x5] =	wrdreg s0;
	s13 =	sadd.s32 $0x1900, s26  }
0x1c: {  	s26 =	simm.s32 $0x280;
	s0 =	simm.s32 $0x3;
	s6 =	simm.s32 $0x4  }
.LBB2_1:
0x1d: {  	s4 =	rddreg [dreg:$0x6]  }
0x1e: {  	[tilespmem:s3], [sflag:$0x1] =	stream.linear.gather [hbm4b:s4+s3], $0x190, $0x38;
	[tilespmem:$0x19400] =	vst v63  }
0x1f: {  	s11 =	rddreg [dreg:$0x7]  }
0x20: {  	[tilespmem:s14], [sflag:$0x2] =	stream.linear.gather [hbm4b:s11+s3], $0x190, $0x38;
	[tilespmem:$0x19400] =	vst v63  }
0x21: {  	_ =	swait.ge [sflag:s15], $0x190  }
0x22: {  	[sflag:s15] =	ssyncset.done $0x0  }
0x23: {  	[sflag:s15] =	ssyncadd.s32 $0xFFFFFE70  }
0x24: {  	[tilespmem:s17], [sflag:$0x3] =	stream.indirect.gather [hbm4b:s2+s16], $0x80, s3, s16, $0xb8;
	[tilespmem:$0x19400] =	vst v63  }
0x25: {  	_ = 	snop  }
0x26: {  	[tilespmem:s18], [sflag:$0x3] =	stream.indirect.gather [hbm4b:s2+s16], $0x80, s16, s16, $0xb8;
	[tilespmem:$0x19400] =	vst v63  }
0x27: {  	_ = 	snop  }
0x28: {  	[tilespmem:s20], [sflag:$0x3] =	stream.indirect.gather [hbm4b:s2+s16], $0x80, s19, s16, $0xb8;
	[tilespmem:$0x19400] =	vst v63  }
0x29: {  	_ = 	snop  }
0x2a: {  	[tilespmem:s23], [sflag:$0x3] =	stream.indirect.gather [hbm4b:s2+s21], $0x80, s22, s21, $0xb8;
	[tilespmem:$0x19400] =	vst v63  }
0x2b: {  	_ =	swait.ge [sflag:s24], $0x190  }
0x2c: {  	[sflag:s24] =	ssyncset.done $0x0  }
0x2d: {  	[sflag:s24] =	ssyncadd.s32 $0xFFFFFE70  }
0x2e: {  	[tilespmem:s25], [sflag:$0x4] =	stream.indirect.gather [hbm4b:s2+s16], $0x80, s14, s16, $0xb8;
	[tilespmem:$0x19400] =	vst v63  }
0x2f: {  	_ = 	snop  }
0x30: {  	[tilespmem:s28], [sflag:$0x4] =	stream.indirect.gather [hbm4b:s2+s16], $0x80, s26, s16, $0xb8;
	[tilespmem:$0x19400] =	vst v63  }
0x31: {  	_ = 	snop  }
0x32: {  	[tilespmem:s30], [sflag:$0x4] =	stream.indirect.gather [hbm4b:s2+s16], $0x80, s29, s16, $0xb8;
	[tilespmem:$0x19400] =	vst v63  }
0x33: {  	_ = 	snop  }
0x34: {  	[tilespmem:s1], [sflag:$0x4] =	stream.indirect.gather [hbm4b:s2+s21], $0x80, s31, s21, $0xb8;
	[tilespmem:$0x19400] =	vst v63  }
0x35: {  	_ =	swait.ge [sflag:s0], $0x4000  }
0x36: {  	[sflag:s0] =	ssyncset.done $0x0  }
0x37: {  	[sflag:s0] =	ssyncadd.s32 $0xFFFFC000  }
0x38: {  	_ =	swait.ge [sflag:s0], $0x4000  }
0x39: {  	[sflag:s0] =	ssyncset.done $0x0  }
0x3a: {  	[sflag:s0] =	ssyncadd.s32 $0xFFFFC000  }
0x3b: {  	_ =	swait.ge [sflag:s0], $0x4000  }
0x3c: {  	[sflag:s0] =	ssyncset.done $0x0  }
0x3d: {  	[sflag:s0] =	ssyncadd.s32 $0xFFFFC000  }
0x3e: {  	_ =	swait.ge [sflag:s0], $0x800  }
0x3f: {  	[sflag:s0] =	ssyncset.done $0x0  }
0x40: {  	s9 =	rddreg [dreg:$0x8];
	[sflag:s0] =	ssyncadd.s32 $0xFFFFF800  }
0x41: {  	[tilespmem:s3], [sflag:$0x1] =	stream.linear.gather [hbm4b:s9+s3], $0x190, $0x38;
	[tilespmem:$0x19400] =	vst v63  }
0x42: {  	s10 =	rddreg [dreg:$0x9]  }
0x43: {  	[hbm4b:s10+s3] =	stream.linear.scatter [tilespmem:s17], [sflag:$0x5], $0xC800, $0x38;
	[tilespmem:$0x19400] =	vst v63  }
0x44: {  	_ =	swait.ge [sflag:s15], $0x190  }
0x45: {  	[sflag:s15] =	ssyncset.done $0x0  }
0x46: {  	[sflag:s15] =	ssyncadd.s32 $0xFFFFFE70  }
0x47: {  	_ =	swait.ge [sflag:s5], $0xC800  }
0x48: {  	[sflag:s5] =	ssyncset.done $0x0  }
0x49: {  	[sflag:s5] =	ssyncadd.s32 $0xFFFF3800  }
0x4a: {  	[tilespmem:s17], [sflag:$0x3] =	stream.indirect.gather [hbm4b:s2+s16], $0x80, s3, s16, $0xb8;
	[tilespmem:$0x19400] =	vst v63  }
0x4b: {  	_ = 	snop  }
0x4c: {  	[tilespmem:s18], [sflag:$0x3] =	stream.indirect.gather [hbm4b:s2+s16], $0x80, s16, s16, $0xb8;
	[tilespmem:$0x19400] =	vst v63  }
0x4d: {  	_ = 	snop  }
0x4e: {  	[tilespmem:s20], [sflag:$0x3] =	stream.indirect.gather [hbm4b:s2+s16], $0x80, s19, s16, $0xb8;
	[tilespmem:$0x19400] =	vst v63  }
0x4f: {  	_ = 	snop  }
0x50: {  	[tilespmem:s23], [sflag:$0x3] =	stream.indirect.gather [hbm4b:s2+s21], $0x80, s22, s21, $0xb8;
	[tilespmem:$0x19400] =	vst v63  }
0x51: {  	_ =	swait.ge [sflag:s6], $0x4000  }
0x52: {  	[sflag:s6] =	ssyncset.done $0x0  }
0x53: {  	[sflag:s6] =	ssyncadd.s32 $0xFFFFC000  }
0x54: {  	_ =	swait.ge [sflag:s6], $0x4000  }
0x55: {  	[sflag:s6] =	ssyncset.done $0x0  }
0x56: {  	[sflag:s6] =	ssyncadd.s32 $0xFFFFC000  }
0x57: {  	_ =	swait.ge [sflag:s6], $0x4000  }
0x58: {  	[sflag:s6] =	ssyncset.done $0x0  }
0x59: {  	[sflag:s6] =	ssyncadd.s32 $0xFFFFC000  }
0x5a: {  	_ =	swait.ge [sflag:s6], $0x800  }
0x5b: {  	s9 =	rddreg [dreg:$0x5];
	[sflag:s6] =	ssyncset.done $0x0  }
0x5c: {  	[sflag:s6] =	ssyncadd.s32 $0xFFFFF800;
	s9 =	sadd.s32 $0x0, s9  }
0x5d: {  	[tilespmem:s14], [sflag:$0x2] =	stream.linear.gather [hbm4b:s9+s3], $0x190, $0x38;
	[tilespmem:$0x19400] =	vst v63  }
0x5e: {  	_ = 	snop  }
0x5f: {  	[hbm4b:s13+s3] =	stream.linear.scatter [tilespmem:s25], [sflag:$0x6], $0xC800, $0x38;
	[tilespmem:$0x19400] =	vst v63  }
0x60: {  	_ =	swait.ge [sflag:s24], $0x190  }
0x61: {  	[sflag:s24] =	ssyncset.done $0x0  }
0x62: {  	[sflag:s24] =	ssyncadd.s32 $0xFFFFFE70  }
0x63: {  	_ =	swait.ge [sflag:s7], $0xC800  }
0x64: {  	[sflag:s7] =	ssyncset.done $0x0  }
0x65: {  	[sflag:s7] =	ssyncadd.s32 $0xFFFF3800  }
0x66: {  	[tilespmem:s25], [sflag:$0x4] =	stream.indirect.gather [hbm4b:s2+s16], $0x80, s14, s16, $0xb8;
	[tilespmem:$0x19400] =	vst v63  }
0x67: {  	_ = 	snop  }
0x68: {  	[tilespmem:s28], [sflag:$0x4] =	stream.indirect.gather [hbm4b:s2+s16], $0x80, s26, s16, $0xb8;
	[tilespmem:$0x19400] =	vst v63  }
0x69: {  	_ = 	snop  }
0x6a: {  	[tilespmem:s30], [sflag:$0x4] =	stream.indirect.gather [hbm4b:s2+s16], $0x80, s29, s16, $0xb8;
	[tilespmem:$0x19400] =	vst v63  }
0x6b: {  	_ = 	snop  }
0x6c: {  	[tilespmem:s1], [sflag:$0x4] =	stream.indirect.gather [hbm4b:s2+s21], $0x80, s31, s21, $0xb8;
	[tilespmem:$0x19400] =	vst v63  }
0x6d: {  	_ =	swait.ge [sflag:s0], $0x4000  }
0x6e: {  	[sflag:s0] =	ssyncset.done $0x0  }
0x6f: {  	[sflag:s0] =	ssyncadd.s32 $0xFFFFC000  }
0x70: {  	_ =	swait.ge [sflag:s0], $0x4000  }
0x71: {  	[sflag:s0] =	ssyncset.done $0x0  }
0x72: {  	[sflag:s0] =	ssyncadd.s32 $0xFFFFC000  }
0x73: {  	_ =	swait.ge [sflag:s0], $0x4000  }
0x74: {  	[sflag:s0] =	ssyncset.done $0x0  }
0x75: {  	[sflag:s0] =	ssyncadd.s32 $0xFFFFC000  }
0x76: {  	_ =	swait.ge [sflag:s0], $0x800  }
0x77: {  	s11 =	rddreg [dreg:$0x4];
	[sflag:s0] =	ssyncset.done $0x0  }
0x78: {  	[sflag:s0] =	ssyncadd.s32 $0xFFFFF800;
	s9 =	sadd.s32 $0x0, s11  }
0x79: {  	[tilespmem:s3], [sflag:$0x1] =	stream.linear.gather [hbm4b:s9+s3], $0x190, $0x38;
	[tilespmem:$0x19400] =	vst v63  }
0x7a: {  	s10 =	sadd.s32 $0x3200, s13;
	s11 =	sadd.s32 $0x1900, s13;
	s9 =	simm.s32 $0x64  }
.LBB2_2:
0x7b: {  	[hbm4b:s11+s3] =	stream.linear.scatter [tilespmem:s17], [sflag:$0x5], $0xC800, $0x38;
	[tilespmem:$0x19400] =	vst v63  }
0x7c: {  	_ =	swait.ge [sflag:s15], $0x190  }
0x7d: {  	[sflag:s15] =	ssyncset.done $0x0  }
0x7e: {  	[sflag:s15] =	ssyncadd.s32 $0xFFFFFE70  }
0x7f: {  	_ =	swait.ge [sflag:s5], $0xC800  }
0x80: {  	[sflag:s5] =	ssyncset.done $0x0  }
0x81: {  	[sflag:s5] =	ssyncadd.s32 $0xFFFF3800  }
0x82: {  	[tilespmem:s17], [sflag:$0x3] =	stream.indirect.gather [hbm4b:s2+s16], $0x80, s3, s16, $0xb8;
	[tilespmem:$0x19400] =	vst v63  }
0x83: {  	_ = 	snop  }
0x84: {  	[tilespmem:s18], [sflag:$0x3] =	stream.indirect.gather [hbm4b:s2+s16], $0x80, s16, s16, $0xb8;
	[tilespmem:$0x19400] =	vst v63  }
0x85: {  	_ = 	snop  }
0x86: {  	[tilespmem:s20], [sflag:$0x3] =	stream.indirect.gather [hbm4b:s2+s16], $0x80, s19, s16, $0xb8;
	[tilespmem:$0x19400] =	vst v63  }
0x87: {  	_ = 	snop  }
0x88: {  	[tilespmem:s23], [sflag:$0x3] =	stream.indirect.gather [hbm4b:s2+s21], $0x80, s22, s21, $0xb8;
	[tilespmem:$0x19400] =	vst v63  }
0x89: {  	_ =	swait.ge [sflag:s6], $0x4000  }
0x8a: {  	[sflag:s6] =	ssyncset.done $0x0  }
0x8b: {  	[sflag:s6] =	ssyncadd.s32 $0xFFFFC000  }
0x8c: {  	_ =	swait.ge [sflag:s6], $0x4000  }
0x8d: {  	[sflag:s6] =	ssyncset.done $0x0  }
0x8e: {  	[sflag:s6] =	ssyncadd.s32 $0xFFFFC000  }
0x8f: {  	_ =	swait.ge [sflag:s6], $0x4000  }
0x90: {  	[sflag:s6] =	ssyncset.done $0x0  }
0x91: {  	[sflag:s6] =	ssyncadd.s32 $0xFFFFC000  }
0x92: {  	_ =	swait.ge [sflag:s6], $0x800  }
0x93: {  	s11 =	smov.u32 s9;
	s4 =	rddreg [dreg:$0x5];
	[sflag:s6] =	ssyncset.done $0x0  }
0x94: {  	[sflag:s6] =	ssyncadd.s32 $0xFFFFF800;
	s4 =	sadd.s32 s11, s4  }
0x95: {  	[tilespmem:s14], [sflag:$0x2] =	stream.linear.gather [hbm4b:s4+s3], $0x190, $0x38;
	[tilespmem:$0x19400] =	vst v63  }
0x96: {  	_ = 	snop  }
0x97: {  	[hbm4b:s10+s3] =	stream.linear.scatter [tilespmem:s25], [sflag:$0x6], $0xC800, $0x38;
	[tilespmem:$0x19400] =	vst v63  }
0x98: {  	_ =	swait.ge [sflag:s24], $0x190  }
0x99: {  	[sflag:s24] =	ssyncset.done $0x0  }
0x9a: {  	[sflag:s24] =	ssyncadd.s32 $0xFFFFFE70  }
0x9b: {  	_ =	swait.ge [sflag:s7], $0xC800  }
0x9c: {  	[sflag:s7] =	ssyncset.done $0x0  }
0x9d: {  	[sflag:s7] =	ssyncadd.s32 $0xFFFF3800  }
0x9e: {  	[tilespmem:s25], [sflag:$0x4] =	stream.indirect.gather [hbm4b:s2+s16], $0x80, s14, s16, $0xb8;
	[tilespmem:$0x19400] =	vst v63  }
0x9f: {  	_ = 	snop  }
0xa0: {  	[tilespmem:s28], [sflag:$0x4] =	stream.indirect.gather [hbm4b:s2+s16], $0x80, s26, s16, $0xb8;
	[tilespmem:$0x19400] =	vst v63  }
0xa1: {  	_ = 	snop  }
0xa2: {  	[tilespmem:s30], [sflag:$0x4] =	stream.indirect.gather [hbm4b:s2+s16], $0x80, s29, s16, $0xb8;
	[tilespmem:$0x19400] =	vst v63  }
0xa3: {  	_ = 	snop  }
0xa4: {  	[tilespmem:s1], [sflag:$0x4] =	stream.indirect.gather [hbm4b:s2+s21], $0x80, s31, s21, $0xb8;
	[tilespmem:$0x19400] =	vst v63  }
0xa5: {  	_ =	swait.ge [sflag:s0], $0x4000  }
0xa6: {  	[sflag:s0] =	ssyncset.done $0x0  }
0xa7: {  	[sflag:s0] =	ssyncadd.s32 $0xFFFFC000  }
0xa8: {  	_ =	swait.ge [sflag:s0], $0x4000  }
0xa9: {  	[sflag:s0] =	ssyncset.done $0x0  }
0xaa: {  	[sflag:s0] =	ssyncadd.s32 $0xFFFFC000  }
0xab: {  	_ =	swait.ge [sflag:s0], $0x4000  }
0xac: {  	[sflag:s0] =	ssyncset.done $0x0  }
0xad: {  	p0 =	sne.s32 s9, $0xB54;
	[sflag:s0] =	ssyncadd.s32 $0xFFFFC000  }
.Ltmp0:
0xae: {  	_ =	swait.ge [sflag:s0], $0x800;
	(pc) =	sbr.rel @p0 .LBB2_2-.Ltmp0, $4  }
0xaf: {  	[sflag:s0] =	ssyncset.done $0x0  }
0xb0: {  	s9 =	sadd.s32 $0x64, s9;
	s4 =	rddreg [dreg:$0x4];
	[sflag:s0] =	ssyncadd.s32 $0xFFFFF800  }
0xb1: {  	s4 =	sadd.s32 s11, s4;
	s11 =	sadd.s32 $0x1900, s10;
	s10 =	sadd.s32 $0x3200, s10  }
0xb2: {  	[tilespmem:s3], [sflag:$0x1] =	stream.linear.gather [hbm4b:s4+s3], $0x190, $0x38;
	[tilespmem:$0x19400] =	vst v63  }
0xb3: {  	[hbm4b:s11+s3] =	stream.linear.scatter [tilespmem:s17], [sflag:$0x5], $0xC800, $0x38;
	[tilespmem:$0x19400] =	vst v63  }
0xb4: {  	_ =	swait.ge [sflag:s15], $0x190  }
0xb5: {  	[sflag:s15] =	ssyncset.done $0x0  }
0xb6: {  	[sflag:s15] =	ssyncadd.s32 $0xFFFFFE70  }
0xb7: {  	_ =	swait.ge [sflag:s5], $0xC800  }
0xb8: {  	[sflag:s5] =	ssyncset.done $0x0  }
0xb9: {  	[sflag:s5] =	ssyncadd.s32 $0xFFFF3800  }
0xba: {  	[tilespmem:s17], [sflag:$0x3] =	stream.indirect.gather [hbm4b:s2+s16], $0x80, s3, s16, $0xb8;
	[tilespmem:$0x19400] =	vst v63  }
0xbb: {  	_ = 	snop  }
0xbc: {  	[tilespmem:s18], [sflag:$0x3] =	stream.indirect.gather [hbm4b:s2+s16], $0x80, s16, s16, $0xb8;
	[tilespmem:$0x19400] =	vst v63  }
0xbd: {  	_ = 	snop  }
0xbe: {  	[tilespmem:s20], [sflag:$0x3] =	stream.indirect.gather [hbm4b:s2+s16], $0x80, s19, s16, $0xb8;
	[tilespmem:$0x19400] =	vst v63  }
0xbf: {  	_ = 	snop  }
0xc0: {  	[tilespmem:s23], [sflag:$0x3] =	stream.indirect.gather [hbm4b:s2+s21], $0x80, s22, s21, $0xb8;
	[tilespmem:$0x19400] =	vst v63  }
0xc1: {  	_ =	swait.ge [sflag:s6], $0x4000  }
0xc2: {  	[sflag:s6] =	ssyncset.done $0x0  }
0xc3: {  	[sflag:s6] =	ssyncadd.s32 $0xFFFFC000  }
0xc4: {  	_ =	swait.ge [sflag:s6], $0x4000  }
0xc5: {  	[sflag:s6] =	ssyncset.done $0x0  }
0xc6: {  	[sflag:s6] =	ssyncadd.s32 $0xFFFFC000  }
0xc7: {  	_ =	swait.ge [sflag:s6], $0x4000  }
0xc8: {  	[sflag:s6] =	ssyncset.done $0x0  }
0xc9: {  	[sflag:s6] =	ssyncadd.s32 $0xFFFFC000  }
0xca: {  	_ =	swait.ge [sflag:s6], $0x800  }
0xcb: {  	[sflag:s6] =	ssyncset.done $0x0  }
0xcc: {  	s4 =	rddreg [dreg:$0xa];
	[sflag:s6] =	ssyncadd.s32 $0xFFFFF800  }
0xcd: {  	[tilespmem:s14], [sflag:$0x2] =	stream.linear.gather [hbm4b:s4+s3], $0x190, $0x38;
	[tilespmem:$0x19400] =	vst v63  }
0xce: {  	s9 =	rddreg [dreg:$0xb]  }
0xcf: {  	[hbm4b:s9+s3] =	stream.linear.scatter [tilespmem:s25], [sflag:$0x6], $0xC800, $0x38;
	[tilespmem:$0x19400] =	vst v63  }
0xd0: {  	_ =	swait.ge [sflag:s24], $0x190  }
0xd1: {  	[sflag:s24] =	ssyncset.done $0x0  }
0xd2: {  	[sflag:s24] =	ssyncadd.s32 $0xFFFFFE70  }
0xd3: {  	_ =	swait.ge [sflag:s7], $0xC800  }
0xd4: {  	[sflag:s7] =	ssyncset.done $0x0  }
0xd5: {  	[sflag:s7] =	ssyncadd.s32 $0xFFFF3800  }
0xd6: {  	[tilespmem:s25], [sflag:$0x4] =	stream.indirect.gather [hbm4b:s2+s16], $0x80, s14, s16, $0xb8;
	[tilespmem:$0x19400] =	vst v63  }
0xd7: {  	_ = 	snop  }
0xd8: {  	[tilespmem:s28], [sflag:$0x4] =	stream.indirect.gather [hbm4b:s2+s16], $0x80, s26, s16, $0xb8;
	[tilespmem:$0x19400] =	vst v63  }
0xd9: {  	_ = 	snop  }
0xda: {  	[tilespmem:s30], [sflag:$0x4] =	stream.indirect.gather [hbm4b:s2+s16], $0x80, s29, s16, $0xb8;
	[tilespmem:$0x19400] =	vst v63  }
0xdb: {  	_ = 	snop  }
0xdc: {  	[tilespmem:s1], [sflag:$0x4] =	stream.indirect.gather [hbm4b:s2+s21], $0x80, s31, s21, $0xb8;
	[tilespmem:$0x19400] =	vst v63  }
0xdd: {  	_ =	swait.ge [sflag:s0], $0x4000  }
0xde: {  	[sflag:s0] =	ssyncset.done $0x0  }
0xdf: {  	[sflag:s0] =	ssyncadd.s32 $0xFFFFC000  }
0xe0: {  	_ =	swait.ge [sflag:s0], $0x4000  }
0xe1: {  	[sflag:s0] =	ssyncset.done $0x0  }
0xe2: {  	[sflag:s0] =	ssyncadd.s32 $0xFFFFC000  }
0xe3: {  	_ =	swait.ge [sflag:s0], $0x4000  }
0xe4: {  	[sflag:s0] =	ssyncset.done $0x0  }
0xe5: {  	[sflag:s0] =	ssyncadd.s32 $0xFFFFC000  }
0xe6: {  	_ =	swait.ge [sflag:s0], $0x800  }
0xe7: {  	[sflag:s0] =	ssyncset.done $0x0  }
0xe8: {  	s10 =	rddreg [dreg:$0xc];
	[sflag:s0] =	ssyncadd.s32 $0xFFFFF800  }
0xe9: {  	[hbm4b:s10+s3] =	stream.linear.scatter [tilespmem:s17], [sflag:$0x5], $0xC800, $0x38;
	[tilespmem:$0x19400] =	vst v63  }
0xea: {  	_ =	swait.ge [sflag:s6], $0x4000  }
0xeb: {  	[sflag:s6] =	ssyncset.done $0x0  }
0xec: {  	[sflag:s6] =	ssyncadd.s32 $0xFFFFC000  }
0xed: {  	_ =	swait.ge [sflag:s6], $0x4000  }
0xee: {  	[sflag:s6] =	ssyncset.done $0x0  }
0xef: {  	[sflag:s6] =	ssyncadd.s32 $0xFFFFC000  }
0xf0: {  	_ =	swait.ge [sflag:s6], $0x4000  }
0xf1: {  	[sflag:s6] =	ssyncset.done $0x0  }
0xf2: {  	[sflag:s6] =	ssyncadd.s32 $0xFFFFC000  }
0xf3: {  	_ =	swait.ge [sflag:s6], $0x800  }
0xf4: {  	[sflag:s6] =	ssyncset.done $0x0  }
0xf5: {  	s8 =	sadd.s32 $0x1, s8;
	s11 =	rddreg [dreg:$0xd];
	[sflag:s6] =	ssyncadd.s32 $0xFFFFF800  }
0xf6: {  	[hbm4b:s11+s3] =	stream.linear.scatter [tilespmem:s25], [sflag:$0x6], $0xC800, $0x38;
	[tilespmem:$0x19400] =	vst v63  }
0xf7: {  	p0 =	sne.s32 s8, s12;
	_ =	swait.ge [sflag:s5], $0xC800  }
.Ltmp1:
0xf8: {  	[sflag:s5] =	ssyncset.done $0x0;
	(pc) =	sbr.rel @p0 .LBB2_1-.Ltmp1, $4  }
0xf9: {  	[sflag:s5] =	ssyncadd.s32 $0xFFFF3800  }
0xfa: {  	_ =	swait.ge [sflag:s7], $0xC800  }
0xfb: {  	[sflag:s7] =	ssyncset.done $0x0  }
0xfc: {  	[sflag:s7] =	ssyncadd.s32 $0xFFFF3800  }
0xfd: {  	_ =	sfence.sel $0x180000  }
0xfe: {  	[bflag:$0x0] =	sbarrier.arrive $0xFFFF  }
0xff: {  	_ =	strace $0x90000047  }
0x100: {  	s0 =	stileid.u32;
	[bflag:$0x2] =	sbarrier.arrive $0xFFFF  }
0x101: {  	p0 =	sne.s32 s0, $0x0;
	s0 =	rddreg [dreg:$0x3]  }
0x102: {  	s0 =	sadd.s32 @!p0 $0x100000, s0  }
0x103: {  	[sflag:s0] =	ssyncadd.tile.s32 @!p0 $0x1;
	_ =	shalt  }
.Lfunc_end2:
_tile_overlayer_lowered:
.L_overlay_start_2:
0x104: {  	(tag) =	ssettag $0x2  }
0x105: {  	s0 =	rddreg [dreg:$0x0];
	s2 =	stileid.u32  }
0x106: {  	s1 =	rddreg [dreg:$0x1];
	p0 =	sne.s32 s2, $0x0  }
0x107: {  	s3 =	rddreg [dreg:$0x2];
	[bflag:$0x3] =	sbarrier.arrive $0xFFFF;
	s2 =	simm.s32 @!p0 $0x1C07  }
0x108: {  	[timem:s3], [sflag:s2] =	dma.local @!p0 [hbm:s0], s1  }
0x109: {  	s0 =	simm.s32 @!p0 $0x7  }
0x10a: {  	_ =	swait.ge @!p0 [sflag:s0], s1  }
0x10b: {  	s1 =	ssub.s32 @!p0 $0x0, s1;
	[sflag:s0] =	ssyncset.done @!p0 $0x0  }
0x10c: {  	[sflag:s0] =	ssyncadd.s32 @!p0 s1  }
0x10d: {  	[bflag:$0x3] =	sbarrier.arrive $0xFFFF  }
0x10e: {  	_ =	shalt  }

</sc_bundles>
